<compile_context>
chip_gen: v7x
topology: tpu7x:2x2x1
jax: 0.10.2.dev20260603
libtpu: 0.0.44.dev20260713+nightly
codegen_flags: <defaults>
</compile_context>

<pallas_src>
import jax
import jax.numpy as jnp
from jax import lax
from jax.experimental import pallas as pl
from jax.experimental.pallas import tpu as pltpu
from jax.experimental.pallas import tpu_sc as plsc

_BLK = 1024
_L = 256
_SUB = 8


def _sc_body(emb_hbm, pay_hbm, pert_hbm, head_hbm, vemb, vpert, vpay, sem):
    b, s, d = emb_hbm.shape
    wid = lax.axis_index("s") * 2 + lax.axis_index("c")
    bi = wid // 8
    s0 = (wid % 8) * 32

    pltpu.async_copy(pay_hbm, vpay, sem).wait()
    for c in range(32 // _SUB):
        sc0 = s0 + c * _SUB
        pltpu.async_copy(
            emb_hbm.at[pl.ds(bi, 1), pl.ds(sc0, _SUB), :], vemb, sem
        ).wait()
        pltpu.async_copy(pert_hbm.at[pl.ds(sc0, _SUB), :], vpert, sem).wait()
        for i in range(_SUB):
            idx = sc0 + jnp.full((16,), i, jnp.int32)
            pay_i = plsc.load_gather(vpay, [idx])
            maskf = (pay_i == 1).astype(jnp.float32)

            def _chunk(j, _, i=i, maskf=maskf):
                sl = pl.ds(j * 16, 16)
                vemb[0, i, sl] = vemb[0, i, sl] + vpert[i, sl] * maskf
                return 0

            lax.fori_loop(0, d // 16, _chunk, 0)
        pltpu.async_copy(
            vemb, head_hbm.at[pl.ds(bi, 1), pl.ds(sc0, _SUB), :], sem
        ).wait()


def _sc_head(embedded_input, watermark_payload, perturbation_vectors):
    b, s, d = embedded_input.shape
    l = perturbation_vectors.shape[0]
    mesh = plsc.VectorSubcoreMesh(core_axis_name="c", subcore_axis_name="s")
    return pl.kernel(
        _sc_body,
        mesh=mesh,
        out_type=jax.ShapeDtypeStruct((b, l, d), jnp.float32),
        compiler_params=pltpu.CompilerParams(needs_layout_passes=False),
        scratch_types=[
            pltpu.VMEM((1, _SUB, d), jnp.float32),
            pltpu.VMEM((_SUB, d), jnp.float32),
            pltpu.VMEM((l,), jnp.int32),
            pltpu.SemaphoreType.DMA,
        ],
    )(embedded_input, watermark_payload, perturbation_vectors)


def _tc_body(head_ref, emb_ref, out_ref):
    j = pl.program_id(1)

    @pl.when(j == 0)
    def _():
        out_ref[0, :_L, :] = head_ref[0]
        out_ref[0, _L:, :] = emb_ref[0, _L:, :]

    @pl.when(j != 0)
    def _():
        out_ref[...] = emb_ref[...]


def kernel(embedded_input, watermark_payload, perturbation_vectors):
    b, s, d = embedded_input.shape
    l = perturbation_vectors.shape[0]
    head = _sc_head(embedded_input, watermark_payload, perturbation_vectors)
    return pl.pallas_call(
        _tc_body,
        grid=(b, s // _BLK),
        in_specs=[
            pl.BlockSpec((1, l, d), lambda bi, j: (bi, 0, 0)),
            pl.BlockSpec((1, _BLK, d), lambda bi, j: (bi, j, 0)),
        ],
        out_specs=pl.BlockSpec((1, _BLK, d), lambda bi, j: (bi, j, 0)),
        out_shape=jax.ShapeDtypeStruct((b, s, d), embedded_input.dtype),
    )(head, embedded_input)

# --- scband reference (transcript-rebuilt; emitter-appended) ---
"""Pipeline reference for scband-explicit-attack-54941221651161 (READ-ONLY COPY).

The authoritative reference and input builder live on the scoring server;
editing this copy changes nothing except your own understanding.
"""

import jax, jax.numpy as jnp
import numpy as np

B, S, D = 4, 4096, 2048
L = 256

def setup_inputs(seed: int = 0) -> dict:
    key = jax.random.key(seed)
    k1, k2, k3 = jax.random.split(key, 3)
    embedded_input = jax.random.normal(k1, (B, S, D), dtype=jnp.float32)
    watermark_payload = jax.random.randint(k2, (L,), 0, 2, dtype=jnp.int32)
    perturbation_vectors = jax.random.normal(k3, (L, D), dtype=jnp.float32) * 0.01
    return {
        "embedded_input": embedded_input,
        "watermark_payload": watermark_payload,
        "perturbation_vectors": perturbation_vectors,
    }

def reference(embedded_input, watermark_payload, perturbation_vectors):
    b, s, d = embedded_input.shape
    wl = perturbation_vectors.shape[0]
    n = min(wl, s)
    # mask[k] = 1.0 if watermark_payload[k] == 1 else 0.0 (vectorized version of the python loop)
    mask = (watermark_payload[:n] == 1).astype(embedded_input.dtype)[:, None]  # (n, 1)
    pert_rows = perturbation_vectors[:n] * mask  # (n, d); rows with payload==0 stay zero
    perturbations = jnp.zeros_like(embedded_input)
    perturbations = perturbations.at[:, :n, :].set(
        jnp.broadcast_to(pert_rows[None, :, :], (b, n, d))
    )
    perturbed_embeddings = embedded_input + perturbations
    return perturbed_embeddings

if __name__ == "__main__":
    import jax
    _d = setup_inputs()
    print(jax.jit(kernel)(*tuple(_d.values())))

</pallas_src>

<mosaic_0001>
#map = affine_map<(d0, d1) -> (0, 0, 0)>
#map1 = affine_map<(d0, d1) -> (0)>
#map2 = affine_map<(d0, d1) -> (0, 0)>
module attributes {stable_mosaic.version = 14 : i64} {
  func.func @_sc_body(%arg0: i32, %arg1: i32, %arg2: memref<4x4096x2048xf32, #tpu.memory_space<hbm>>, %arg3: memref<256xi32, #tpu.memory_space<hbm>>, %arg4: memref<256x2048xf32, #tpu.memory_space<hbm>>, %arg5: memref<4x256x2048xf32, #tpu.memory_space<hbm>>, %arg6: memref<1x8x2048xf32, #tpu.memory_space<vmem>>, %arg7: memref<8x2048xf32, #tpu.memory_space<vmem>>, %arg8: memref<256xi32, #tpu.memory_space<vmem>>, %arg9: memref<!tpu.dma_semaphore, #tpu.memory_space<semaphore_mem>>) attributes {dimension_semantics = [#tpu.dimension_semantics<core_parallel>, #tpu.dimension_semantics<subcore_parallel>], iteration_bounds = array<i64: 2, 16>, scalar_prefetch = 0 : i64, scratch_operands = 4 : i64, tpu.core_type = #tpu.core_type<sc_vector_subcore>, window_params = [{transform_indices = #map}, {transform_indices = #map1}, {transform_indices = #map2}, {transform_indices = #map}]} {
    %mul3A = arith.constant 2 : i32
    %mul3A_0 = arith.muli %arg1, %mul3A : i32
    %add3A = arith.addi %mul3A_0, %arg0 : i32
    %jit3A = arith.constant 8 : i32
    %div3A = arith.divsi %add3A, %jit3A : i32
    %sign3A = arith.constant 0 : i32
    %sign3A_1 = arith.cmpi sgt, %add3A, %sign3A : i32
    %sign3A_2 = arith.extui %sign3A_1 : i1 to i32
    %sign3A_3 = arith.constant 0 : i32
    %sign3A_4 = arith.cmpi slt, %add3A, %sign3A_3 : i32
    %sign3A_5 = arith.extui %sign3A_4 : i1 to i32
    %sign3A_6 = arith.subi %sign3A_2, %sign3A_5 : i32
    %sign3A_7 = arith.constant 0 : i32
    %sign3A_8 = arith.cmpi sgt, %jit3A, %sign3A_7 : i32
    %sign3A_9 = arith.extui %sign3A_8 : i1 to i32
    %sign3A_10 = arith.constant 0 : i32
    %sign3A_11 = arith.cmpi slt, %jit3A, %sign3A_10 : i32
    %sign3A_12 = arith.extui %sign3A_11 : i1 to i32
    %sign3A_13 = arith.subi %sign3A_9, %sign3A_12 : i32
    %ne3A = arith.cmpi ne, %sign3A_6, %sign3A_13 : i32
    %rem3A = arith.remsi %add3A, %jit3A : i32
    %ne3A_14 = arith.constant 0 : i32
    %ne3A_15 = arith.cmpi ne, %rem3A, %ne3A_14 : i32
    %and3A = arith.andi %ne3A, %ne3A_15 : i1
    %sub3A = arith.constant 1 : i32
    %sub3A_16 = arith.subi %div3A, %sub3A : i32
    %select_n3A = arith.select %and3A, %sub3A_16, %div3A : i32
    %jit3A_17 = arith.constant 8 : i32
    %eq3A = arith.constant 0 : i32
    %eq3A_18 = arith.cmpi eq, %jit3A_17, %eq3A : i32
    %jit3A_19 = arith.constant 1 : i32
    %select_n3A_20 = arith.select %eq3A_18, %jit3A_19, %jit3A_17 : i32
    %rem3A_21 = arith.remsi %add3A, %select_n3A_20 : i32
    %ne3A_22 = arith.constant 0 : i32
    %ne3A_23 = arith.cmpi ne, %rem3A_21, %ne3A_22 : i32
    %lt3A = arith.constant 0 : i32
    %lt3A_24 = arith.cmpi slt, %rem3A_21, %lt3A : i32
    %lt3A_25 = arith.constant 0 : i32
    %lt3A_26 = arith.cmpi slt, %select_n3A_20, %lt3A_25 : i32
    %ne3A_27 = arith.xori %lt3A_24, %lt3A_26 : i1
    %and3A_28 = arith.andi %ne3A_27, %ne3A_23 : i1
    %add3A_29 = arith.addi %rem3A_21, %select_n3A_20 : i32
    %select_n3A_30 = arith.select %and3A_28, %add3A_29, %rem3A_21 : i32
    %mul3A_31 = arith.constant 32 : i32
    %mul3A_32 = arith.muli %select_n3A_30, %mul3A_31 : i32
    tpu.enqueue_dma source(%arg3 : memref<256xi32, #tpu.memory_space<hbm>>) target(%arg8 : memref<256xi32, #tpu.memory_space<vmem>>) target_semaphore(%arg9 : memref<!tpu.dma_semaphore, #tpu.memory_space<semaphore_mem>>)
    tpu.wait_dma2 semaphore(%arg9 : memref<!tpu.dma_semaphore, #tpu.memory_space<semaphore_mem>>) src(%arg3 : memref<256xi32, #tpu.memory_space<hbm>>) dst(%arg8 : memref<256xi32, #tpu.memory_space<vmem>>)
    %add3A_33 = arith.constant 0 : i32
    %add3A_34 = arith.addi %mul3A_32, %add3A_33 : i32
    %dma_start3A = arith.constant 0 : i32
    %dma_start3A_35 = tpu.memref_slice %arg2[%select_n3A, %add3A_34, %dma_start3A] : memref<4x4096x2048xf32, #tpu.memory_space<hbm>> -> memref<1x8x2048xf32, #tpu.memory_space<hbm>>
    %dma_start3A_36 = arith.constant 0 : i32
    %dma_start3A_37 = tpu.memref_slice %arg2[%select_n3A, %add3A_34, %dma_start3A_36] : memref<4x4096x2048xf32, #tpu.memory_space<hbm>> -> memref<1x8x2048xf32, #tpu.memory_space<hbm>>
    tpu.enqueue_dma source(%dma_start3A_37 : memref<1x8x2048xf32, #tpu.memory_space<hbm>>) target(%arg6 : memref<1x8x2048xf32, #tpu.memory_space<vmem>>) target_semaphore(%arg9 : memref<!tpu.dma_semaphore, #tpu.memory_space<semaphore_mem>>)
    %dma_wait3A = arith.constant 0 : i32
    %dma_wait3A_38 = tpu.memref_slice %arg2[%select_n3A, %add3A_34, %dma_wait3A] : memref<4x4096x2048xf32, #tpu.memory_space<hbm>> -> memref<1x8x2048xf32, #tpu.memory_space<hbm>>
    %dma_wait3A_39 = arith.constant 0 : i32
    %dma_wait3A_40 = tpu.memref_slice %arg2[%select_n3A, %add3A_34, %dma_wait3A_39] : memref<4x4096x2048xf32, #tpu.memory_space<hbm>> -> memref<1x8x2048xf32, #tpu.memory_space<hbm>>
    tpu.wait_dma2 semaphore(%arg9 : memref<!tpu.dma_semaphore, #tpu.memory_space<semaphore_mem>>) src(%dma_wait3A_40 : memref<1x8x2048xf32, #tpu.memory_space<hbm>>) dst(%arg6 : memref<1x8x2048xf32, #tpu.memory_space<vmem>>)
    %dma_start3A_41 = arith.constant 0 : i32
    %dma_start3A_42 = tpu.memref_slice %arg4[%add3A_34, %dma_start3A_41] : memref<256x2048xf32, #tpu.memory_space<hbm>> -> memref<8x2048xf32, #tpu.memory_space<hbm>>
    %dma_start3A_43 = arith.constant 0 : i32
    %dma_start3A_44 = tpu.memref_slice %arg4[%add3A_34, %dma_start3A_43] : memref<256x2048xf32, #tpu.memory_space<hbm>> -> memref<8x2048xf32, #tpu.memory_space<hbm>>
    tpu.enqueue_dma source(%dma_start3A_44 : memref<8x2048xf32, #tpu.memory_space<hbm>>) target(%arg7 : memref<8x2048xf32, #tpu.memory_space<vmem>>) target_semaphore(%arg9 : memref<!tpu.dma_semaphore, #tpu.memory_space<semaphore_mem>>)
    %dma_wait3A_45 = arith.constant 0 : i32
    %dma_wait3A_46 = tpu.memref_slice %arg4[%add3A_34, %dma_wait3A_45] : memref<256x2048xf32, #tpu.memory_space<hbm>> -> memref<8x2048xf32, #tpu.memory_space<hbm>>
    %dma_wait3A_47 = arith.constant 0 : i32
    %dma_wait3A_48 = tpu.memref_slice %arg4[%add3A_34, %dma_wait3A_47] : memref<256x2048xf32, #tpu.memory_space<hbm>> -> memref<8x2048xf32, #tpu.memory_space<hbm>>
    tpu.wait_dma2 semaphore(%arg9 : memref<!tpu.dma_semaphore, #tpu.memory_space<semaphore_mem>>) src(%dma_wait3A_48 : memref<8x2048xf32, #tpu.memory_space<hbm>>) dst(%arg7 : memref<8x2048xf32, #tpu.memory_space<vmem>>)
    %broadcast_in_dim3A = arith.constant 0 : i32
    %broadcast_in_dim3A_49 = vector.broadcast %broadcast_in_dim3A : i32 to vector<16xi32>
    %add3A_50 = vector.broadcast %add3A_34 : i32 to vector<16xi32>
    %add3A_51 = arith.addi %add3A_50, %broadcast_in_dim3A_49 : vector<16xi32>
    %gather3A = tpu.vector_load_idx %arg8[%add3A_51] : memref<256xi32, #tpu.memory_space<vmem>>[vector<16xi32>], vector<16xi32>,
    %eq3A_52 = arith.constant 1 : i32
    %eq3A_53 = vector.broadcast %eq3A_52 : i32 to vector<16xi32>
    %eq3A_54 = arith.cmpi eq, %gather3A, %eq3A_53 : vector<16xi32>
    %convert_element_type3A = arith.extui %eq3A_54 : vector<16xi1> to vector<16xi32>
    %convert_element_type3A_55 = arith.sitofp %convert_element_type3A : vector<16xi32> to vector<16xf32>
    %scan3A = arith.constant 0 : i32
    %scan3A_56 = arith.constant 0 : i32
    %scan3A_57 = arith.constant 128 : i32
    %scan3A_58 = arith.addi %scan3A_56, %scan3A_57 : i32
    %scan3A_59 = arith.constant 1 : i32
    %scan3A_60 = scf.for %scan3A_675 = %scan3A_56 to %scan3A_58 step %scan3A_59 iter_args(%scan3A_676 = %scan3A) -> (i32)  : i32 {
      %mul3A_677 = arith.constant 16 : i32
      %mul3A_678 = arith.muli %scan3A_675, %mul3A_677 : i32
      %get3A = arith.constant 0 : i32
      %get3A_679 = arith.constant 0 : i32
      %get3A_680 = arith.index_cast %get3A : i32 to index
      %get3A_681 = arith.index_cast %get3A_679 : i32 to index
      %get3A_682 = arith.index_cast %mul3A_678 : i32 to index
      %get3A_683 = tpu.vector_load %arg6[%get3A_680, %get3A_681, %get3A_682] {strides = array<i32>} : memref<1x8x2048xf32, #tpu.memory_space<vmem>>, vector<16xf32>,
      %get3A_684 = arith.constant 0 : i32
      %get3A_685 = arith.index_cast %get3A_684 : i32 to index
      %get3A_686 = arith.index_cast %mul3A_678 : i32 to index
      %get3A_687 = tpu.vector_load %arg7[%get3A_685, %get3A_686] {strides = array<i32>} : memref<8x2048xf32, #tpu.memory_space<vmem>>, vector<16xf32>,
      %mul3A_688 = arith.mulf %get3A_687, %convert_element_type3A_55 : vector<16xf32>
      %add3A_689 = arith.addf %get3A_683, %mul3A_688 : vector<16xf32>
      %swap3A = arith.constant 0 : i32
      %swap3A_690 = arith.constant 0 : i32
      %swap3A_691 = arith.index_cast %swap3A : i32 to index
      %swap3A_692 = arith.index_cast %swap3A_690 : i32 to index
      %swap3A_693 = arith.index_cast %mul3A_678 : i32 to index
      %swap3A_694 = tpu.vector_load %arg6[%swap3A_691, %swap3A_692, %swap3A_693] {strides = array<i32>} : memref<1x8x2048xf32, #tpu.memory_space<vmem>>, vector<16xf32>,
      tpu.vector_store %arg6[%swap3A_691, %swap3A_692, %swap3A_693], %add3A_689 {strides = array<i32>} : memref<1x8x2048xf32, #tpu.memory_space<vmem>>, vector<16xf32>,
      %scan3A_695 = arith.constant 0 : i32
      scf.yield %scan3A_695 : i32
    }
    %scan3A_61 = arith.constant 128 : i32
    %broadcast_in_dim3A_62 = arith.constant 1 : i32
    %broadcast_in_dim3A_63 = vector.broadcast %broadcast_in_dim3A_62 : i32 to vector<16xi32>
    %add3A_64 = vector.broadcast %add3A_34 : i32 to vector<16xi32>
    %add3A_65 = arith.addi %add3A_64, %broadcast_in_dim3A_63 : vector<16xi32>
    %gather3A_66 = tpu.vector_load_idx %arg8[%add3A_65] : memref<256xi32, #tpu.memory_space<vmem>>[vector<16xi32>], vector<16xi32>,
    %eq3A_67 = arith.constant 1 : i32
    %eq3A_68 = vector.broadcast %eq3A_67 : i32 to vector<16xi32>
    %eq3A_69 = arith.cmpi eq, %gather3A_66, %eq3A_68 : vector<16xi32>
    %convert_element_type3A_70 = arith.extui %eq3A_69 : vector<16xi1> to vector<16xi32>
    %convert_element_type3A_71 = arith.sitofp %convert_element_type3A_70 : vector<16xi32> to vector<16xf32>
    %scan3A_72 = arith.constant 0 : i32
    %scan3A_73 = arith.constant 0 : i32
    %scan3A_74 = arith.constant 128 : i32
    %scan3A_75 = arith.addi %scan3A_73, %scan3A_74 : i32
    %scan3A_76 = arith.constant 1 : i32
    %scan3A_77 = scf.for %scan3A_675 = %scan3A_73 to %scan3A_75 step %scan3A_76 iter_args(%scan3A_676 = %scan3A_72) -> (i32)  : i32 {
      %mul3A_677 = arith.constant 16 : i32
      %mul3A_678 = arith.muli %scan3A_675, %mul3A_677 : i32
      %get3A = arith.constant 0 : i32
      %get3A_679 = arith.constant 1 : i32
      %get3A_680 = arith.index_cast %get3A : i32 to index
      %get3A_681 = arith.index_cast %get3A_679 : i32 to index
      %get3A_682 = arith.index_cast %mul3A_678 : i32 to index
      %get3A_683 = tpu.vector_load %arg6[%get3A_680, %get3A_681, %get3A_682] {strides = array<i32>} : memref<1x8x2048xf32, #tpu.memory_space<vmem>>, vector<16xf32>,
      %get3A_684 = arith.constant 1 : i32
      %get3A_685 = arith.index_cast %get3A_684 : i32 to index
      %get3A_686 = arith.index_cast %mul3A_678 : i32 to index
      %get3A_687 = tpu.vector_load %arg7[%get3A_685, %get3A_686] {strides = array<i32>} : memref<8x2048xf32, #tpu.memory_space<vmem>>, vector<16xf32>,
      %mul3A_688 = arith.mulf %get3A_687, %convert_element_type3A_71 : vector<16xf32>
      %add3A_689 = arith.addf %get3A_683, %mul3A_688 : vector<16xf32>
      %swap3A = arith.constant 0 : i32
      %swap3A_690 = arith.constant 1 : i32
      %swap3A_691 = arith.index_cast %swap3A : i32 to index
      %swap3A_692 = arith.index_cast %swap3A_690 : i32 to index
      %swap3A_693 = arith.index_cast %mul3A_678 : i32 to index
      %swap3A_694 = tpu.vector_load %arg6[%swap3A_691, %swap3A_692, %swap3A_693] {strides = array<i32>} : memref<1x8x2048xf32, #tpu.memory_space<vmem>>, vector<16xf32>,
      tpu.vector_store %arg6[%swap3A_691, %swap3A_692, %swap3A_693], %add3A_689 {strides = array<i32>} : memref<1x8x2048xf32, #tpu.memory_space<vmem>>, vector<16xf32>,
      %scan3A_695 = arith.constant 0 : i32
      scf.yield %scan3A_695 : i32
    }
    %scan3A_78 = arith.constant 128 : i32
    %broadcast_in_dim3A_79 = arith.constant 2 : i32
    %broadcast_in_dim3A_80 = vector.broadcast %broadcast_in_dim3A_79 : i32 to vector<16xi32>
    %add3A_81 = vector.broadcast %add3A_34 : i32 to vector<16xi32>
    %add3A_82 = arith.addi %add3A_81, %broadcast_in_dim3A_80 : vector<16xi32>
    %gather3A_83 = tpu.vector_load_idx %arg8[%add3A_82] : memref<256xi32, #tpu.memory_space<vmem>>[vector<16xi32>], vector<16xi32>,
    %eq3A_84 = arith.constant 1 : i32
    %eq3A_85 = vector.broadcast %eq3A_84 : i32 to vector<16xi32>
    %eq3A_86 = arith.cmpi eq, %gather3A_83, %eq3A_85 : vector<16xi32>
    %convert_element_type3A_87 = arith.extui %eq3A_86 : vector<16xi1> to vector<16xi32>
    %convert_element_type3A_88 = arith.sitofp %convert_element_type3A_87 : vector<16xi32> to vector<16xf32>
    %scan3A_89 = arith.constant 0 : i32
    %scan3A_90 = arith.constant 0 : i32
    %scan3A_91 = arith.constant 128 : i32
    %scan3A_92 = arith.addi %scan3A_90, %scan3A_91 : i32
    %scan3A_93 = arith.constant 1 : i32
    %scan3A_94 = scf.for %scan3A_675 = %scan3A_90 to %scan3A_92 step %scan3A_93 iter_args(%scan3A_676 = %scan3A_89) -> (i32)  : i32 {
      %mul3A_677 = arith.constant 16 : i32
      %mul3A_678 = arith.muli %scan3A_675, %mul3A_677 : i32
      %get3A = arith.constant 0 : i32
      %get3A_679 = arith.constant 2 : i32
      %get3A_680 = arith.index_cast %get3A : i32 to index
      %get3A_681 = arith.index_cast %get3A_679 : i32 to index
      %get3A_682 = arith.index_cast %mul3A_678 : i32 to index
      %get3A_683 = tpu.vector_load %arg6[%get3A_680, %get3A_681, %get3A_682] {strides = array<i32>} : memref<1x8x2048xf32, #tpu.memory_space<vmem>>, vector<16xf32>,
      %get3A_684 = arith.constant 2 : i32
      %get3A_685 = arith.index_cast %get3A_684 : i32 to index
      %get3A_686 = arith.index_cast %mul3A_678 : i32 to index
      %get3A_687 = tpu.vector_load %arg7[%get3A_685, %get3A_686] {strides = array<i32>} : memref<8x2048xf32, #tpu.memory_space<vmem>>, vector<16xf32>,
      %mul3A_688 = arith.mulf %get3A_687, %convert_element_type3A_88 : vector<16xf32>
      %add3A_689 = arith.addf %get3A_683, %mul3A_688 : vector<16xf32>
      %swap3A = arith.constant 0 : i32
      %swap3A_690 = arith.constant 2 : i32
      %swap3A_691 = arith.index_cast %swap3A : i32 to index
      %swap3A_692 = arith.index_cast %swap3A_690 : i32 to index
      %swap3A_693 = arith.index_cast %mul3A_678 : i32 to index
      %swap3A_694 = tpu.vector_load %arg6[%swap3A_691, %swap3A_692, %swap3A_693] {strides = array<i32>} : memref<1x8x2048xf32, #tpu.memory_space<vmem>>, vector<16xf32>,
      tpu.vector_store %arg6[%swap3A_691, %swap3A_692, %swap3A_693], %add3A_689 {strides = array<i32>} : memref<1x8x2048xf32, #tpu.memory_space<vmem>>, vector<16xf32>,
      %scan3A_695 = arith.constant 0 : i32
      scf.yield %scan3A_695 : i32
    }
    %scan3A_95 = arith.constant 128 : i32
    %broadcast_in_dim3A_96 = arith.constant 3 : i32
    %broadcast_in_dim3A_97 = vector.broadcast %broadcast_in_dim3A_96 : i32 to vector<16xi32>
    %add3A_98 = vector.broadcast %add3A_34 : i32 to vector<16xi32>
    %add3A_99 = arith.addi %add3A_98, %broadcast_in_dim3A_97 : vector<16xi32>
    %gather3A_100 = tpu.vector_load_idx %arg8[%add3A_99] : memref<256xi32, #tpu.memory_space<vmem>>[vector<16xi32>], vector<16xi32>,
    %eq3A_101 = arith.constant 1 : i32
    %eq3A_102 = vector.broadcast %eq3A_101 : i32 to vector<16xi32>
    %eq3A_103 = arith.cmpi eq, %gather3A_100, %eq3A_102 : vector<16xi32>
    %convert_element_type3A_104 = arith.extui %eq3A_103 : vector<16xi1> to vector<16xi32>
    %convert_element_type3A_105 = arith.sitofp %convert_element_type3A_104 : vector<16xi32> to vector<16xf32>
    %scan3A_106 = arith.constant 0 : i32
    %scan3A_107 = arith.constant 0 : i32
    %scan3A_108 = arith.constant 128 : i32
    %scan3A_109 = arith.addi %scan3A_107, %scan3A_108 : i32
    %scan3A_110 = arith.constant 1 : i32
    %scan3A_111 = scf.for %scan3A_675 = %scan3A_107 to %scan3A_109 step %scan3A_110 iter_args(%scan3A_676 = %scan3A_106) -> (i32)  : i32 {
      %mul3A_677 = arith.constant 16 : i32
      %mul3A_678 = arith.muli %scan3A_675, %mul3A_677 : i32
      %get3A = arith.constant 0 : i32
      %get3A_679 = arith.constant 3 : i32
      %get3A_680 = arith.index_cast %get3A : i32 to index
      %get3A_681 = arith.index_cast %get3A_679 : i32 to index
      %get3A_682 = arith.index_cast %mul3A_678 : i32 to index
      %get3A_683 = tpu.vector_load %arg6[%get3A_680, %get3A_681, %get3A_682] {strides = array<i32>} : memref<1x8x2048xf32, #tpu.memory_space<vmem>>, vector<16xf32>,
      %get3A_684 = arith.constant 3 : i32
      %get3A_685 = arith.index_cast %get3A_684 : i32 to index
      %get3A_686 = arith.index_cast %mul3A_678 : i32 to index
      %get3A_687 = tpu.vector_load %arg7[%get3A_685, %get3A_686] {strides = array<i32>} : memref<8x2048xf32, #tpu.memory_space<vmem>>, vector<16xf32>,
      %mul3A_688 = arith.mulf %get3A_687, %convert_element_type3A_105 : vector<16xf32>
      %add3A_689 = arith.addf %get3A_683, %mul3A_688 : vector<16xf32>
      %swap3A = arith.constant 0 : i32
      %swap3A_690 = arith.constant 3 : i32
      %swap3A_691 = arith.index_cast %swap3A : i32 to index
      %swap3A_692 = arith.index_cast %swap3A_690 : i32 to index
      %swap3A_693 = arith.index_cast %mul3A_678 : i32 to index
      %swap3A_694 = tpu.vector_load %arg6[%swap3A_691, %swap3A_692, %swap3A_693] {strides = array<i32>} : memref<1x8x2048xf32, #tpu.memory_space<vmem>>, vector<16xf32>,
      tpu.vector_store %arg6[%swap3A_691, %swap3A_692, %swap3A_693], %add3A_689 {strides = array<i32>} : memref<1x8x2048xf32, #tpu.memory_space<vmem>>, vector<16xf32>,
      %scan3A_695 = arith.constant 0 : i32
      scf.yield %scan3A_695 : i32
    }
    %scan3A_112 = arith.constant 128 : i32
    %broadcast_in_dim3A_113 = arith.constant 4 : i32
    %broadcast_in_dim3A_114 = vector.broadcast %broadcast_in_dim3A_113 : i32 to vector<16xi32>
    %add3A_115 = vector.broadcast %add3A_34 : i32 to vector<16xi32>
    %add3A_116 = arith.addi %add3A_115, %broadcast_in_dim3A_114 : vector<16xi32>
    %gather3A_117 = tpu.vector_load_idx %arg8[%add3A_116] : memref<256xi32, #tpu.memory_space<vmem>>[vector<16xi32>], vector<16xi32>,
    %eq3A_118 = arith.constant 1 : i32
    %eq3A_119 = vector.broadcast %eq3A_118 : i32 to vector<16xi32>
    %eq3A_120 = arith.cmpi eq, %gather3A_117, %eq3A_119 : vector<16xi32>
    %convert_element_type3A_121 = arith.extui %eq3A_120 : vector<16xi1> to vector<16xi32>
    %convert_element_type3A_122 = arith.sitofp %convert_element_type3A_121 : vector<16xi32> to vector<16xf32>
    %scan3A_123 = arith.constant 0 : i32
    %scan3A_124 = arith.constant 0 : i32
    %scan3A_125 = arith.constant 128 : i32
    %scan3A_126 = arith.addi %scan3A_124, %scan3A_125 : i32
    %scan3A_127 = arith.constant 1 : i32
    %scan3A_128 = scf.for %scan3A_675 = %scan3A_124 to %scan3A_126 step %scan3A_127 iter_args(%scan3A_676 = %scan3A_123) -> (i32)  : i32 {
      %mul3A_677 = arith.constant 16 : i32
      %mul3A_678 = arith.muli %scan3A_675, %mul3A_677 : i32
      %get3A = arith.constant 0 : i32
      %get3A_679 = arith.constant 4 : i32
      %get3A_680 = arith.index_cast %get3A : i32 to index
      %get3A_681 = arith.index_cast %get3A_679 : i32 to index
      %get3A_682 = arith.index_cast %mul3A_678 : i32 to index
      %get3A_683 = tpu.vector_load %arg6[%get3A_680, %get3A_681, %get3A_682] {strides = array<i32>} : memref<1x8x2048xf32, #tpu.memory_space<vmem>>, vector<16xf32>,
      %get3A_684 = arith.constant 4 : i32
      %get3A_685 = arith.index_cast %get3A_684 : i32 to index
      %get3A_686 = arith.index_cast %mul3A_678 : i32 to index
      %get3A_687 = tpu.vector_load %arg7[%get3A_685, %get3A_686] {strides = array<i32>} : memref<8x2048xf32, #tpu.memory_space<vmem>>, vector<16xf32>,
      %mul3A_688 = arith.mulf %get3A_687, %convert_element_type3A_122 : vector<16xf32>
      %add3A_689 = arith.addf %get3A_683, %mul3A_688 : vector<16xf32>
      %swap3A = arith.constant 0 : i32
      %swap3A_690 = arith.constant 4 : i32
      %swap3A_691 = arith.index_cast %swap3A : i32 to index
      %swap3A_692 = arith.index_cast %swap3A_690 : i32 to index
      %swap3A_693 = arith.index_cast %mul3A_678 : i32 to index
      %swap3A_694 = tpu.vector_load %arg6[%swap3A_691, %swap3A_692, %swap3A_693] {strides = array<i32>} : memref<1x8x2048xf32, #tpu.memory_space<vmem>>, vector<16xf32>,
      tpu.vector_store %arg6[%swap3A_691, %swap3A_692, %swap3A_693], %add3A_689 {strides = array<i32>} : memref<1x8x2048xf32, #tpu.memory_space<vmem>>, vector<16xf32>,
      %scan3A_695 = arith.constant 0 : i32
      scf.yield %scan3A_695 : i32
    }
    %scan3A_129 = arith.constant 128 : i32
    %broadcast_in_dim3A_130 = arith.constant 5 : i32
    %broadcast_in_dim3A_131 = vector.broadcast %broadcast_in_dim3A_130 : i32 to vector<16xi32>
    %add3A_132 = vector.broadcast %add3A_34 : i32 to vector<16xi32>
    %add3A_133 = arith.addi %add3A_132, %broadcast_in_dim3A_131 : vector<16xi32>
    %gather3A_134 = tpu.vector_load_idx %arg8[%add3A_133] : memref<256xi32, #tpu.memory_space<vmem>>[vector<16xi32>], vector<16xi32>,
    %eq3A_135 = arith.constant 1 : i32
    %eq3A_136 = vector.broadcast %eq3A_135 : i32 to vector<16xi32>
    %eq3A_137 = arith.cmpi eq, %gather3A_134, %eq3A_136 : vector<16xi32>
    %convert_element_type3A_138 = arith.extui %eq3A_137 : vector<16xi1> to vector<16xi32>
    %convert_element_type3A_139 = arith.sitofp %convert_element_type3A_138 : vector<16xi32> to vector<16xf32>
    %scan3A_140 = arith.constant 0 : i32
    %scan3A_141 = arith.constant 0 : i32
    %scan3A_142 = arith.constant 128 : i32
    %scan3A_143 = arith.addi %scan3A_141, %scan3A_142 : i32
    %scan3A_144 = arith.constant 1 : i32
    %scan3A_145 = scf.for %scan3A_675 = %scan3A_141 to %scan3A_143 step %scan3A_144 iter_args(%scan3A_676 = %scan3A_140) -> (i32)  : i32 {
      %mul3A_677 = arith.constant 16 : i32
      %mul3A_678 = arith.muli %scan3A_675, %mul3A_677 : i32
      %get3A = arith.constant 0 : i32
      %get3A_679 = arith.constant 5 : i32
      %get3A_680 = arith.index_cast %get3A : i32 to index
      %get3A_681 = arith.index_cast %get3A_679 : i32 to index
      %get3A_682 = arith.index_cast %mul3A_678 : i32 to index
      %get3A_683 = tpu.vector_load %arg6[%get3A_680, %get3A_681, %get3A_682] {strides = array<i32>} : memref<1x8x2048xf32, #tpu.memory_space<vmem>>, vector<16xf32>,
      %get3A_684 = arith.constant 5 : i32
      %get3A_685 = arith.index_cast %get3A_684 : i32 to index
      %get3A_686 = arith.index_cast %mul3A_678 : i32 to index
      %get3A_687 = tpu.vector_load %arg7[%get3A_685, %get3A_686] {strides = array<i32>} : memref<8x2048xf32, #tpu.memory_space<vmem>>, vector<16xf32>,
      %mul3A_688 = arith.mulf %get3A_687, %convert_element_type3A_139 : vector<16xf32>
      %add3A_689 = arith.addf %get3A_683, %mul3A_688 : vector<16xf32>
      %swap3A = arith.constant 0 : i32
      %swap3A_690 = arith.constant 5 : i32
      %swap3A_691 = arith.index_cast %swap3A : i32 to index
      %swap3A_692 = arith.index_cast %swap3A_690 : i32 to index
      %swap3A_693 = arith.index_cast %mul3A_678 : i32 to index
      %swap3A_694 = tpu.vector_load %arg6[%swap3A_691, %swap3A_692, %swap3A_693] {strides = array<i32>} : memref<1x8x2048xf32, #tpu.memory_space<vmem>>, vector<16xf32>,
      tpu.vector_store %arg6[%swap3A_691, %swap3A_692, %swap3A_693], %add3A_689 {strides = array<i32>} : memref<1x8x2048xf32, #tpu.memory_space<vmem>>, vector<16xf32>,
      %scan3A_695 = arith.constant 0 : i32
      scf.yield %scan3A_695 : i32
    }
    %scan3A_146 = arith.constant 128 : i32
    %broadcast_in_dim3A_147 = arith.constant 6 : i32
    %broadcast_in_dim3A_148 = vector.broadcast %broadcast_in_dim3A_147 : i32 to vector<16xi32>
    %add3A_149 = vector.broadcast %add3A_34 : i32 to vector<16xi32>
    %add3A_150 = arith.addi %add3A_149, %broadcast_in_dim3A_148 : vector<16xi32>
    %gather3A_151 = tpu.vector_load_idx %arg8[%add3A_150] : memref<256xi32, #tpu.memory_space<vmem>>[vector<16xi32>], vector<16xi32>,
    %eq3A_152 = arith.constant 1 : i32
    %eq3A_153 = vector.broadcast %eq3A_152 : i32 to vector<16xi32>
    %eq3A_154 = arith.cmpi eq, %gather3A_151, %eq3A_153 : vector<16xi32>
    %convert_element_type3A_155 = arith.extui %eq3A_154 : vector<16xi1> to vector<16xi32>
    %convert_element_type3A_156 = arith.sitofp %convert_element_type3A_155 : vector<16xi32> to vector<16xf32>
    %scan3A_157 = arith.constant 0 : i32
    %scan3A_158 = arith.constant 0 : i32
    %scan3A_159 = arith.constant 128 : i32
    %scan3A_160 = arith.addi %scan3A_158, %scan3A_159 : i32
    %scan3A_161 = arith.constant 1 : i32
    %scan3A_162 = scf.for %scan3A_675 = %scan3A_158 to %scan3A_160 step %scan3A_161 iter_args(%scan3A_676 = %scan3A_157) -> (i32)  : i32 {
      %mul3A_677 = arith.constant 16 : i32
      %mul3A_678 = arith.muli %scan3A_675, %mul3A_677 : i32
      %get3A = arith.constant 0 : i32
      %get3A_679 = arith.constant 6 : i32
      %get3A_680 = arith.index_cast %get3A : i32 to index
      %get3A_681 = arith.index_cast %get3A_679 : i32 to index
      %get3A_682 = arith.index_cast %mul3A_678 : i32 to index
      %get3A_683 = tpu.vector_load %arg6[%get3A_680, %get3A_681, %get3A_682] {strides = array<i32>} : memref<1x8x2048xf32, #tpu.memory_space<vmem>>, vector<16xf32>,
      %get3A_684 = arith.constant 6 : i32
      %get3A_685 = arith.index_cast %get3A_684 : i32 to index
      %get3A_686 = arith.index_cast %mul3A_678 : i32 to index
      %get3A_687 = tpu.vector_load %arg7[%get3A_685, %get3A_686] {strides = array<i32>} : memref<8x2048xf32, #tpu.memory_space<vmem>>, vector<16xf32>,
      %mul3A_688 = arith.mulf %get3A_687, %convert_element_type3A_156 : vector<16xf32>
      %add3A_689 = arith.addf %get3A_683, %mul3A_688 : vector<16xf32>
      %swap3A = arith.constant 0 : i32
      %swap3A_690 = arith.constant 6 : i32
      %swap3A_691 = arith.index_cast %swap3A : i32 to index
      %swap3A_692 = arith.index_cast %swap3A_690 : i32 to index
      %swap3A_693 = arith.index_cast %mul3A_678 : i32 to index
      %swap3A_694 = tpu.vector_load %arg6[%swap3A_691, %swap3A_692, %swap3A_693] {strides = array<i32>} : memref<1x8x2048xf32, #tpu.memory_space<vmem>>, vector<16xf32>,
      tpu.vector_store %arg6[%swap3A_691, %swap3A_692, %swap3A_693], %add3A_689 {strides = array<i32>} : memref<1x8x2048xf32, #tpu.memory_space<vmem>>, vector<16xf32>,
      %scan3A_695 = arith.constant 0 : i32
      scf.yield %scan3A_695 : i32
    }
    %scan3A_163 = arith.constant 128 : i32
    %broadcast_in_dim3A_164 = arith.constant 7 : i32
    %broadcast_in_dim3A_165 = vector.broadcast %broadcast_in_dim3A_164 : i32 to vector<16xi32>
    %add3A_166 = vector.broadcast %add3A_34 : i32 to vector<16xi32>
    %add3A_167 = arith.addi %add3A_166, %broadcast_in_dim3A_165 : vector<16xi32>
    %gather3A_168 = tpu.vector_load_idx %arg8[%add3A_167] : memref<256xi32, #tpu.memory_space<vmem>>[vector<16xi32>], vector<16xi32>,
    %eq3A_169 = arith.constant 1 : i32
    %eq3A_170 = vector.broadcast %eq3A_169 : i32 to vector<16xi32>
    %eq3A_171 = arith.cmpi eq, %gather3A_168, %eq3A_170 : vector<16xi32>
    %convert_element_type3A_172 = arith.extui %eq3A_171 : vector<16xi1> to vector<16xi32>
    %convert_element_type3A_173 = arith.sitofp %convert_element_type3A_172 : vector<16xi32> to vector<16xf32>
    %scan3A_174 = arith.constant 0 : i32
    %scan3A_175 = arith.constant 0 : i32
    %scan3A_176 = arith.constant 128 : i32
    %scan3A_177 = arith.addi %scan3A_175, %scan3A_176 : i32
    %scan3A_178 = arith.constant 1 : i32
    %scan3A_179 = scf.for %scan3A_675 = %scan3A_175 to %scan3A_177 step %scan3A_178 iter_args(%scan3A_676 = %scan3A_174) -> (i32)  : i32 {
      %mul3A_677 = arith.constant 16 : i32
      %mul3A_678 = arith.muli %scan3A_675, %mul3A_677 : i32
      %get3A = arith.constant 0 : i32
      %get3A_679 = arith.constant 7 : i32
      %get3A_680 = arith.index_cast %get3A : i32 to index
      %get3A_681 = arith.index_cast %get3A_679 : i32 to index
      %get3A_682 = arith.index_cast %mul3A_678 : i32 to index
      %get3A_683 = tpu.vector_load %arg6[%get3A_680, %get3A_681, %get3A_682] {strides = array<i32>} : memref<1x8x2048xf32, #tpu.memory_space<vmem>>, vector<16xf32>,
      %get3A_684 = arith.constant 7 : i32
      %get3A_685 = arith.index_cast %get3A_684 : i32 to index
      %get3A_686 = arith.index_cast %mul3A_678 : i32 to index
      %get3A_687 = tpu.vector_load %arg7[%get3A_685, %get3A_686] {strides = array<i32>} : memref<8x2048xf32, #tpu.memory_space<vmem>>, vector<16xf32>,
      %mul3A_688 = arith.mulf %get3A_687, %convert_element_type3A_173 : vector<16xf32>
      %add3A_689 = arith.addf %get3A_683, %mul3A_688 : vector<16xf32>
      %swap3A = arith.constant 0 : i32
      %swap3A_690 = arith.constant 7 : i32
      %swap3A_691 = arith.index_cast %swap3A : i32 to index
      %swap3A_692 = arith.index_cast %swap3A_690 : i32 to index
      %swap3A_693 = arith.index_cast %mul3A_678 : i32 to index
      %swap3A_694 = tpu.vector_load %arg6[%swap3A_691, %swap3A_692, %swap3A_693] {strides = array<i32>} : memref<1x8x2048xf32, #tpu.memory_space<vmem>>, vector<16xf32>,
      tpu.vector_store %arg6[%swap3A_691, %swap3A_692, %swap3A_693], %add3A_689 {strides = array<i32>} : memref<1x8x2048xf32, #tpu.memory_space<vmem>>, vector<16xf32>,
      %scan3A_695 = arith.constant 0 : i32
      scf.yield %scan3A_695 : i32
    }
    %scan3A_180 = arith.constant 128 : i32
    %dma_start3A_181 = arith.constant 0 : i32
    %dma_start3A_182 = tpu.memref_slice %arg5[%select_n3A, %add3A_34, %dma_start3A_181] : memref<4x256x2048xf32, #tpu.memory_space<hbm>> -> memref<1x8x2048xf32, #tpu.memory_space<hbm>>
    %dma_start3A_183 = arith.constant 0 : i32
    %dma_start3A_184 = tpu.memref_slice %arg5[%select_n3A, %add3A_34, %dma_start3A_183] : memref<4x256x2048xf32, #tpu.memory_space<hbm>> -> memref<1x8x2048xf32, #tpu.memory_space<hbm>>
    tpu.enqueue_dma source(%arg6 : memref<1x8x2048xf32, #tpu.memory_space<vmem>>) target(%dma_start3A_184 : memref<1x8x2048xf32, #tpu.memory_space<hbm>>) target_semaphore(%arg9 : memref<!tpu.dma_semaphore, #tpu.memory_space<semaphore_mem>>)
    %dma_wait3A_185 = arith.constant 0 : i32
    %dma_wait3A_186 = tpu.memref_slice %arg5[%select_n3A, %add3A_34, %dma_wait3A_185] : memref<4x256x2048xf32, #tpu.memory_space<hbm>> -> memref<1x8x2048xf32, #tpu.memory_space<hbm>>
    %dma_wait3A_187 = arith.constant 0 : i32
    %dma_wait3A_188 = tpu.memref_slice %arg5[%select_n3A, %add3A_34, %dma_wait3A_187] : memref<4x256x2048xf32, #tpu.memory_space<hbm>> -> memref<1x8x2048xf32, #tpu.memory_space<hbm>>
    tpu.wait_dma2 semaphore(%arg9 : memref<!tpu.dma_semaphore, #tpu.memory_space<semaphore_mem>>) src(%arg6 : memref<1x8x2048xf32, #tpu.memory_space<vmem>>) dst(%dma_wait3A_188 : memref<1x8x2048xf32, #tpu.memory_space<hbm>>)
    %add3A_189 = arith.constant 8 : i32
    %add3A_190 = arith.addi %mul3A_32, %add3A_189 : i32
    %dma_start3A_191 = arith.constant 0 : i32
    %dma_start3A_192 = tpu.memref_slice %arg2[%select_n3A, %add3A_190, %dma_start3A_191] : memref<4x4096x2048xf32, #tpu.memory_space<hbm>> -> memref<1x8x2048xf32, #tpu.memory_space<hbm>>
    %dma_start3A_193 = arith.constant 0 : i32
    %dma_start3A_194 = tpu.memref_slice %arg2[%select_n3A, %add3A_190, %dma_start3A_193] : memref<4x4096x2048xf32, #tpu.memory_space<hbm>> -> memref<1x8x2048xf32, #tpu.memory_space<hbm>>
    tpu.enqueue_dma source(%dma_start3A_194 : memref<1x8x2048xf32, #tpu.memory_space<hbm>>) target(%arg6 : memref<1x8x2048xf32, #tpu.memory_space<vmem>>) target_semaphore(%arg9 : memref<!tpu.dma_semaphore, #tpu.memory_space<semaphore_mem>>)
    %dma_wait3A_195 = arith.constant 0 : i32
    %dma_wait3A_196 = tpu.memref_slice %arg2[%select_n3A, %add3A_190, %dma_wait3A_195] : memref<4x4096x2048xf32, #tpu.memory_space<hbm>> -> memref<1x8x2048xf32, #tpu.memory_space<hbm>>
    %dma_wait3A_197 = arith.constant 0 : i32
    %dma_wait3A_198 = tpu.memref_slice %arg2[%select_n3A, %add3A_190, %dma_wait3A_197] : memref<4x4096x2048xf32, #tpu.memory_space<hbm>> -> memref<1x8x2048xf32, #tpu.memory_space<hbm>>
    tpu.wait_dma2 semaphore(%arg9 : memref<!tpu.dma_semaphore, #tpu.memory_space<semaphore_mem>>) src(%dma_wait3A_198 : memref<1x8x2048xf32, #tpu.memory_space<hbm>>) dst(%arg6 : memref<1x8x2048xf32, #tpu.memory_space<vmem>>)
    %dma_start3A_199 = arith.constant 0 : i32
    %dma_start3A_200 = tpu.memref_slice %arg4[%add3A_190, %dma_start3A_199] : memref<256x2048xf32, #tpu.memory_space<hbm>> -> memref<8x2048xf32, #tpu.memory_space<hbm>>
    %dma_start3A_201 = arith.constant 0 : i32
    %dma_start3A_202 = tpu.memref_slice %arg4[%add3A_190, %dma_start3A_201] : memref<256x2048xf32, #tpu.memory_space<hbm>> -> memref<8x2048xf32, #tpu.memory_space<hbm>>
    tpu.enqueue_dma source(%dma_start3A_202 : memref<8x2048xf32, #tpu.memory_space<hbm>>) target(%arg7 : memref<8x2048xf32, #tpu.memory_space<vmem>>) target_semaphore(%arg9 : memref<!tpu.dma_semaphore, #tpu.memory_space<semaphore_mem>>)
    %dma_wait3A_203 = arith.constant 0 : i32
    %dma_wait3A_204 = tpu.memref_slice %arg4[%add3A_190, %dma_wait3A_203] : memref<256x2048xf32, #tpu.memory_space<hbm>> -> memref<8x2048xf32, #tpu.memory_space<hbm>>
    %dma_wait3A_205 = arith.constant 0 : i32
    %dma_wait3A_206 = tpu.memref_slice %arg4[%add3A_190, %dma_wait3A_205] : memref<256x2048xf32, #tpu.memory_space<hbm>> -> memref<8x2048xf32, #tpu.memory_space<hbm>>
    tpu.wait_dma2 semaphore(%arg9 : memref<!tpu.dma_semaphore, #tpu.memory_space<semaphore_mem>>) src(%dma_wait3A_206 : memref<8x2048xf32, #tpu.memory_space<hbm>>) dst(%arg7 : memref<8x2048xf32, #tpu.memory_space<vmem>>)
    %broadcast_in_dim3A_207 = arith.constant 0 : i32
    %broadcast_in_dim3A_208 = vector.broadcast %broadcast_in_dim3A_207 : i32 to vector<16xi32>
    %add3A_209 = vector.broadcast %add3A_190 : i32 to vector<16xi32>
    %add3A_210 = arith.addi %add3A_209, %broadcast_in_dim3A_208 : vector<16xi32>
    %gather3A_211 = tpu.vector_load_idx %arg8[%add3A_210] : memref<256xi32, #tpu.memory_space<vmem>>[vector<16xi32>], vector<16xi32>,
    %eq3A_212 = arith.constant 1 : i32
    %eq3A_213 = vector.broadcast %eq3A_212 : i32 to vector<16xi32>
    %eq3A_214 = arith.cmpi eq, %gather3A_211, %eq3A_213 : vector<16xi32>
    %convert_element_type3A_215 = arith.extui %eq3A_214 : vector<16xi1> to vector<16xi32>
    %convert_element_type3A_216 = arith.sitofp %convert_element_type3A_215 : vector<16xi32> to vector<16xf32>
    %scan3A_217 = arith.constant 0 : i32
    %scan3A_218 = arith.constant 0 : i32
    %scan3A_219 = arith.constant 128 : i32
    %scan3A_220 = arith.addi %scan3A_218, %scan3A_219 : i32
    %scan3A_221 = arith.constant 1 : i32
    %scan3A_222 = scf.for %scan3A_675 = %scan3A_218 to %scan3A_220 step %scan3A_221 iter_args(%scan3A_676 = %scan3A_217) -> (i32)  : i32 {
      %mul3A_677 = arith.constant 16 : i32
      %mul3A_678 = arith.muli %scan3A_675, %mul3A_677 : i32
      %get3A = arith.constant 0 : i32
      %get3A_679 = arith.constant 0 : i32
      %get3A_680 = arith.index_cast %get3A : i32 to index
      %get3A_681 = arith.index_cast %get3A_679 : i32 to index
      %get3A_682 = arith.index_cast %mul3A_678 : i32 to index
      %get3A_683 = tpu.vector_load %arg6[%get3A_680, %get3A_681, %get3A_682] {strides = array<i32>} : memref<1x8x2048xf32, #tpu.memory_space<vmem>>, vector<16xf32>,
      %get3A_684 = arith.constant 0 : i32
      %get3A_685 = arith.index_cast %get3A_684 : i32 to index
      %get3A_686 = arith.index_cast %mul3A_678 : i32 to index
      %get3A_687 = tpu.vector_load %arg7[%get3A_685, %get3A_686] {strides = array<i32>} : memref<8x2048xf32, #tpu.memory_space<vmem>>, vector<16xf32>,
      %mul3A_688 = arith.mulf %get3A_687, %convert_element_type3A_216 : vector<16xf32>
      %add3A_689 = arith.addf %get3A_683, %mul3A_688 : vector<16xf32>
      %swap3A = arith.constant 0 : i32
      %swap3A_690 = arith.constant 0 : i32
      %swap3A_691 = arith.index_cast %swap3A : i32 to index
      %swap3A_692 = arith.index_cast %swap3A_690 : i32 to index
      %swap3A_693 = arith.index_cast %mul3A_678 : i32 to index
      %swap3A_694 = tpu.vector_load %arg6[%swap3A_691, %swap3A_692, %swap3A_693] {strides = array<i32>} : memref<1x8x2048xf32, #tpu.memory_space<vmem>>, vector<16xf32>,
      tpu.vector_store %arg6[%swap3A_691, %swap3A_692, %swap3A_693], %add3A_689 {strides = array<i32>} : memref<1x8x2048xf32, #tpu.memory_space<vmem>>, vector<16xf32>,
      %scan3A_695 = arith.constant 0 : i32
      scf.yield %scan3A_695 : i32
    }
    %scan3A_223 = arith.constant 128 : i32
    %broadcast_in_dim3A_224 = arith.constant 1 : i32
    %broadcast_in_dim3A_225 = vector.broadcast %broadcast_in_dim3A_224 : i32 to vector<16xi32>
    %add3A_226 = vector.broadcast %add3A_190 : i32 to vector<16xi32>
    %add3A_227 = arith.addi %add3A_226, %broadcast_in_dim3A_225 : vector<16xi32>
    %gather3A_228 = tpu.vector_load_idx %arg8[%add3A_227] : memref<256xi32, #tpu.memory_space<vmem>>[vector<16xi32>], vector<16xi32>,
    %eq3A_229 = arith.constant 1 : i32
    %eq3A_230 = vector.broadcast %eq3A_229 : i32 to vector<16xi32>
    %eq3A_231 = arith.cmpi eq, %gather3A_228, %eq3A_230 : vector<16xi32>
    %convert_element_type3A_232 = arith.extui %eq3A_231 : vector<16xi1> to vector<16xi32>
    %convert_element_type3A_233 = arith.sitofp %convert_element_type3A_232 : vector<16xi32> to vector<16xf32>
    %scan3A_234 = arith.constant 0 : i32
    %scan3A_235 = arith.constant 0 : i32
    %scan3A_236 = arith.constant 128 : i32
    %scan3A_237 = arith.addi %scan3A_235, %scan3A_236 : i32
    %scan3A_238 = arith.constant 1 : i32
    %scan3A_239 = scf.for %scan3A_675 = %scan3A_235 to %scan3A_237 step %scan3A_238 iter_args(%scan3A_676 = %scan3A_234) -> (i32)  : i32 {
      %mul3A_677 = arith.constant 16 : i32
      %mul3A_678 = arith.muli %scan3A_675, %mul3A_677 : i32
      %get3A = arith.constant 0 : i32
      %get3A_679 = arith.constant 1 : i32
      %get3A_680 = arith.index_cast %get3A : i32 to index
      %get3A_681 = arith.index_cast %get3A_679 : i32 to index
      %get3A_682 = arith.index_cast %mul3A_678 : i32 to index
      %get3A_683 = tpu.vector_load %arg6[%get3A_680, %get3A_681, %get3A_682] {strides = array<i32>} : memref<1x8x2048xf32, #tpu.memory_space<vmem>>, vector<16xf32>,
      %get3A_684 = arith.constant 1 : i32
      %get3A_685 = arith.index_cast %get3A_684 : i32 to index
      %get3A_686 = arith.index_cast %mul3A_678 : i32 to index
      %get3A_687 = tpu.vector_load %arg7[%get3A_685, %get3A_686] {strides = array<i32>} : memref<8x2048xf32, #tpu.memory_space<vmem>>, vector<16xf32>,
      %mul3A_688 = arith.mulf %get3A_687, %convert_element_type3A_233 : vector<16xf32>
      %add3A_689 = arith.addf %get3A_683, %mul3A_688 : vector<16xf32>
      %swap3A = arith.constant 0 : i32
      %swap3A_690 = arith.constant 1 : i32
      %swap3A_691 = arith.index_cast %swap3A : i32 to index
      %swap3A_692 = arith.index_cast %swap3A_690 : i32 to index
      %swap3A_693 = arith.index_cast %mul3A_678 : i32 to index
      %swap3A_694 = tpu.vector_load %arg6[%swap3A_691, %swap3A_692, %swap3A_693] {strides = array<i32>} : memref<1x8x2048xf32, #tpu.memory_space<vmem>>, vector<16xf32>,
      tpu.vector_store %arg6[%swap3A_691, %swap3A_692, %swap3A_693], %add3A_689 {strides = array<i32>} : memref<1x8x2048xf32, #tpu.memory_space<vmem>>, vector<16xf32>,
      %scan3A_695 = arith.constant 0 : i32
      scf.yield %scan3A_695 : i32
    }
    %scan3A_240 = arith.constant 128 : i32
    %broadcast_in_dim3A_241 = arith.constant 2 : i32
    %broadcast_in_dim3A_242 = vector.broadcast %broadcast_in_dim3A_241 : i32 to vector<16xi32>
    %add3A_243 = vector.broadcast %add3A_190 : i32 to vector<16xi32>
    %add3A_244 = arith.addi %add3A_243, %broadcast_in_dim3A_242 : vector<16xi32>
    %gather3A_245 = tpu.vector_load_idx %arg8[%add3A_244] : memref<256xi32, #tpu.memory_space<vmem>>[vector<16xi32>], vector<16xi32>,
    %eq3A_246 = arith.constant 1 : i32
    %eq3A_247 = vector.broadcast %eq3A_246 : i32 to vector<16xi32>
    %eq3A_248 = arith.cmpi eq, %gather3A_245, %eq3A_247 : vector<16xi32>
    %convert_element_type3A_249 = arith.extui %eq3A_248 : vector<16xi1> to vector<16xi32>
    %convert_element_type3A_250 = arith.sitofp %convert_element_type3A_249 : vector<16xi32> to vector<16xf32>
    %scan3A_251 = arith.constant 0 : i32
    %scan3A_252 = arith.constant 0 : i32
    %scan3A_253 = arith.constant 128 : i32
    %scan3A_254 = arith.addi %scan3A_252, %scan3A_253 : i32
    %scan3A_255 = arith.constant 1 : i32
    %scan3A_256 = scf.for %scan3A_675 = %scan3A_252 to %scan3A_254 step %scan3A_255 iter_args(%scan3A_676 = %scan3A_251) -> (i32)  : i32 {
      %mul3A_677 = arith.constant 16 : i32
      %mul3A_678 = arith.muli %scan3A_675, %mul3A_677 : i32
      %get3A = arith.constant 0 : i32
      %get3A_679 = arith.constant 2 : i32
      %get3A_680 = arith.index_cast %get3A : i32 to index
      %get3A_681 = arith.index_cast %get3A_679 : i32 to index
      %get3A_682 = arith.index_cast %mul3A_678 : i32 to index
      %get3A_683 = tpu.vector_load %arg6[%get3A_680, %get3A_681, %get3A_682] {strides = array<i32>} : memref<1x8x2048xf32, #tpu.memory_space<vmem>>, vector<16xf32>,
      %get3A_684 = arith.constant 2 : i32
      %get3A_685 = arith.index_cast %get3A_684 : i32 to index
      %get3A_686 = arith.index_cast %mul3A_678 : i32 to index
      %get3A_687 = tpu.vector_load %arg7[%get3A_685, %get3A_686] {strides = array<i32>} : memref<8x2048xf32, #tpu.memory_space<vmem>>, vector<16xf32>,
      %mul3A_688 = arith.mulf %get3A_687, %convert_element_type3A_250 : vector<16xf32>
      %add3A_689 = arith.addf %get3A_683, %mul3A_688 : vector<16xf32>
      %swap3A = arith.constant 0 : i32
      %swap3A_690 = arith.constant 2 : i32
      %swap3A_691 = arith.index_cast %swap3A : i32 to index
      %swap3A_692 = arith.index_cast %swap3A_690 : i32 to index
      %swap3A_693 = arith.index_cast %mul3A_678 : i32 to index
      %swap3A_694 = tpu.vector_load %arg6[%swap3A_691, %swap3A_692, %swap3A_693] {strides = array<i32>} : memref<1x8x2048xf32, #tpu.memory_space<vmem>>, vector<16xf32>,
      tpu.vector_store %arg6[%swap3A_691, %swap3A_692, %swap3A_693], %add3A_689 {strides = array<i32>} : memref<1x8x2048xf32, #tpu.memory_space<vmem>>, vector<16xf32>,
      %scan3A_695 = arith.constant 0 : i32
      scf.yield %scan3A_695 : i32
    }
    %scan3A_257 = arith.constant 128 : i32
    %broadcast_in_dim3A_258 = arith.constant 3 : i32
    %broadcast_in_dim3A_259 = vector.broadcast %broadcast_in_dim3A_258 : i32 to vector<16xi32>
    %add3A_260 = vector.broadcast %add3A_190 : i32 to vector<16xi32>
    %add3A_261 = arith.addi %add3A_260, %broadcast_in_dim3A_259 : vector<16xi32>
    %gather3A_262 = tpu.vector_load_idx %arg8[%add3A_261] : memref<256xi32, #tpu.memory_space<vmem>>[vector<16xi32>], vector<16xi32>,
    %eq3A_263 = arith.constant 1 : i32
    %eq3A_264 = vector.broadcast %eq3A_263 : i32 to vector<16xi32>
    %eq3A_265 = arith.cmpi eq, %gather3A_262, %eq3A_264 : vector<16xi32>
    %convert_element_type3A_266 = arith.extui %eq3A_265 : vector<16xi1> to vector<16xi32>
    %convert_element_type3A_267 = arith.sitofp %convert_element_type3A_266 : vector<16xi32> to vector<16xf32>
    %scan3A_268 = arith.constant 0 : i32
    %scan3A_269 = arith.constant 0 : i32
    %scan3A_270 = arith.constant 128 : i32
    %scan3A_271 = arith.addi %scan3A_269, %scan3A_270 : i32
    %scan3A_272 = arith.constant 1 : i32
    %scan3A_273 = scf.for %scan3A_675 = %scan3A_269 to %scan3A_271 step %scan3A_272 iter_args(%scan3A_676 = %scan3A_268) -> (i32)  : i32 {
      %mul3A_677 = arith.constant 16 : i32
      %mul3A_678 = arith.muli %scan3A_675, %mul3A_677 : i32
      %get3A = arith.constant 0 : i32
      %get3A_679 = arith.constant 3 : i32
      %get3A_680 = arith.index_cast %get3A : i32 to index
      %get3A_681 = arith.index_cast %get3A_679 : i32 to index
      %get3A_682 = arith.index_cast %mul3A_678 : i32 to index
      %get3A_683 = tpu.vector_load %arg6[%get3A_680, %get3A_681, %get3A_682] {strides = array<i32>} : memref<1x8x2048xf32, #tpu.memory_space<vmem>>, vector<16xf32>,
      %get3A_684 = arith.constant 3 : i32
      %get3A_685 = arith.index_cast %get3A_684 : i32 to index
      %get3A_686 = arith.index_cast %mul3A_678 : i32 to index
      %get3A_687 = tpu.vector_load %arg7[%get3A_685, %get3A_686] {strides = array<i32>} : memref<8x2048xf32, #tpu.memory_space<vmem>>, vector<16xf32>,
      %mul3A_688 = arith.mulf %get3A_687, %convert_element_type3A_267 : vector<16xf32>
      %add3A_689 = arith.addf %get3A_683, %mul3A_688 : vector<16xf32>
      %swap3A = arith.constant 0 : i32
      %swap3A_690 = arith.constant 3 : i32
      %swap3A_691 = arith.index_cast %swap3A : i32 to index
      %swap3A_692 = arith.index_cast %swap3A_690 : i32 to index
      %swap3A_693 = arith.index_cast %mul3A_678 : i32 to index
      %swap3A_694 = tpu.vector_load %arg6[%swap3A_691, %swap3A_692, %swap3A_693] {strides = array<i32>} : memref<1x8x2048xf32, #tpu.memory_space<vmem>>, vector<16xf32>,
      tpu.vector_store %arg6[%swap3A_691, %swap3A_692, %swap3A_693], %add3A_689 {strides = array<i32>} : memref<1x8x2048xf32, #tpu.memory_space<vmem>>, vector<16xf32>,
      %scan3A_695 = arith.constant 0 : i32
      scf.yield %scan3A_695 : i32
    }
    %scan3A_274 = arith.constant 128 : i32
    %broadcast_in_dim3A_275 = arith.constant 4 : i32
    %broadcast_in_dim3A_276 = vector.broadcast %broadcast_in_dim3A_275 : i32 to vector<16xi32>
    %add3A_277 = vector.broadcast %add3A_190 : i32 to vector<16xi32>
    %add3A_278 = arith.addi %add3A_277, %broadcast_in_dim3A_276 : vector<16xi32>
    %gather3A_279 = tpu.vector_load_idx %arg8[%add3A_278] : memref<256xi32, #tpu.memory_space<vmem>>[vector<16xi32>], vector<16xi32>,
    %eq3A_280 = arith.constant 1 : i32
    %eq3A_281 = vector.broadcast %eq3A_280 : i32 to vector<16xi32>
    %eq3A_282 = arith.cmpi eq, %gather3A_279, %eq3A_281 : vector<16xi32>
    %convert_element_type3A_283 = arith.extui %eq3A_282 : vector<16xi1> to vector<16xi32>
    %convert_element_type3A_284 = arith.sitofp %convert_element_type3A_283 : vector<16xi32> to vector<16xf32>
    %scan3A_285 = arith.constant 0 : i32
    %scan3A_286 = arith.constant 0 : i32
    %scan3A_287 = arith.constant 128 : i32
    %scan3A_288 = arith.addi %scan3A_286, %scan3A_287 : i32
    %scan3A_289 = arith.constant 1 : i32
    %scan3A_290 = scf.for %scan3A_675 = %scan3A_286 to %scan3A_288 step %scan3A_289 iter_args(%scan3A_676 = %scan3A_285) -> (i32)  : i32 {
      %mul3A_677 = arith.constant 16 : i32
      %mul3A_678 = arith.muli %scan3A_675, %mul3A_677 : i32
      %get3A = arith.constant 0 : i32
      %get3A_679 = arith.constant 4 : i32
      %get3A_680 = arith.index_cast %get3A : i32 to index
      %get3A_681 = arith.index_cast %get3A_679 : i32 to index
      %get3A_682 = arith.index_cast %mul3A_678 : i32 to index
      %get3A_683 = tpu.vector_load %arg6[%get3A_680, %get3A_681, %get3A_682] {strides = array<i32>} : memref<1x8x2048xf32, #tpu.memory_space<vmem>>, vector<16xf32>,
      %get3A_684 = arith.constant 4 : i32
      %get3A_685 = arith.index_cast %get3A_684 : i32 to index
      %get3A_686 = arith.index_cast %mul3A_678 : i32 to index
      %get3A_687 = tpu.vector_load %arg7[%get3A_685, %get3A_686] {strides = array<i32>} : memref<8x2048xf32, #tpu.memory_space<vmem>>, vector<16xf32>,
      %mul3A_688 = arith.mulf %get3A_687, %convert_element_type3A_284 : vector<16xf32>
      %add3A_689 = arith.addf %get3A_683, %mul3A_688 : vector<16xf32>
      %swap3A = arith.constant 0 : i32
      %swap3A_690 = arith.constant 4 : i32
      %swap3A_691 = arith.index_cast %swap3A : i32 to index
      %swap3A_692 = arith.index_cast %swap3A_690 : i32 to index
      %swap3A_693 = arith.index_cast %mul3A_678 : i32 to index
      %swap3A_694 = tpu.vector_load %arg6[%swap3A_691, %swap3A_692, %swap3A_693] {strides = array<i32>} : memref<1x8x2048xf32, #tpu.memory_space<vmem>>, vector<16xf32>,
      tpu.vector_store %arg6[%swap3A_691, %swap3A_692, %swap3A_693], %add3A_689 {strides = array<i32>} : memref<1x8x2048xf32, #tpu.memory_space<vmem>>, vector<16xf32>,
      %scan3A_695 = arith.constant 0 : i32
      scf.yield %scan3A_695 : i32
    }
    %scan3A_291 = arith.constant 128 : i32
    %broadcast_in_dim3A_292 = arith.constant 5 : i32
    %broadcast_in_dim3A_293 = vector.broadcast %broadcast_in_dim3A_292 : i32 to vector<16xi32>
    %add3A_294 = vector.broadcast %add3A_190 : i32 to vector<16xi32>
    %add3A_295 = arith.addi %add3A_294, %broadcast_in_dim3A_293 : vector<16xi32>
    %gather3A_296 = tpu.vector_load_idx %arg8[%add3A_295] : memref<256xi32, #tpu.memory_space<vmem>>[vector<16xi32>], vector<16xi32>,
    %eq3A_297 = arith.constant 1 : i32
    %eq3A_298 = vector.broadcast %eq3A_297 : i32 to vector<16xi32>
    %eq3A_299 = arith.cmpi eq, %gather3A_296, %eq3A_298 : vector<16xi32>
    %convert_element_type3A_300 = arith.extui %eq3A_299 : vector<16xi1> to vector<16xi32>
    %convert_element_type3A_301 = arith.sitofp %convert_element_type3A_300 : vector<16xi32> to vector<16xf32>
    %scan3A_302 = arith.constant 0 : i32
    %scan3A_303 = arith.constant 0 : i32
    %scan3A_304 = arith.constant 128 : i32
    %scan3A_305 = arith.addi %scan3A_303, %scan3A_304 : i32
    %scan3A_306 = arith.constant 1 : i32
    %scan3A_307 = scf.for %scan3A_675 = %scan3A_303 to %scan3A_305 step %scan3A_306 iter_args(%scan3A_676 = %scan3A_302) -> (i32)  : i32 {
      %mul3A_677 = arith.constant 16 : i32
      %mul3A_678 = arith.muli %scan3A_675, %mul3A_677 : i32
      %get3A = arith.constant 0 : i32
      %get3A_679 = arith.constant 5 : i32
      %get3A_680 = arith.index_cast %get3A : i32 to index
      %get3A_681 = arith.index_cast %get3A_679 : i32 to index
      %get3A_682 = arith.index_cast %mul3A_678 : i32 to index
      %get3A_683 = tpu.vector_load %arg6[%get3A_680, %get3A_681, %get3A_682] {strides = array<i32>} : memref<1x8x2048xf32, #tpu.memory_space<vmem>>, vector<16xf32>,
      %get3A_684 = arith.constant 5 : i32
      %get3A_685 = arith.index_cast %get3A_684 : i32 to index
      %get3A_686 = arith.index_cast %mul3A_678 : i32 to index
      %get3A_687 = tpu.vector_load %arg7[%get3A_685, %get3A_686] {strides = array<i32>} : memref<8x2048xf32, #tpu.memory_space<vmem>>, vector<16xf32>,
      %mul3A_688 = arith.mulf %get3A_687, %convert_element_type3A_301 : vector<16xf32>
      %add3A_689 = arith.addf %get3A_683, %mul3A_688 : vector<16xf32>
      %swap3A = arith.constant 0 : i32
      %swap3A_690 = arith.constant 5 : i32
      %swap3A_691 = arith.index_cast %swap3A : i32 to index
      %swap3A_692 = arith.index_cast %swap3A_690 : i32 to index
      %swap3A_693 = arith.index_cast %mul3A_678 : i32 to index
      %swap3A_694 = tpu.vector_load %arg6[%swap3A_691, %swap3A_692, %swap3A_693] {strides = array<i32>} : memref<1x8x2048xf32, #tpu.memory_space<vmem>>, vector<16xf32>,
      tpu.vector_store %arg6[%swap3A_691, %swap3A_692, %swap3A_693], %add3A_689 {strides = array<i32>} : memref<1x8x2048xf32, #tpu.memory_space<vmem>>, vector<16xf32>,
      %scan3A_695 = arith.constant 0 : i32
      scf.yield %scan3A_695 : i32
    }
    %scan3A_308 = arith.constant 128 : i32
    %broadcast_in_dim3A_309 = arith.constant 6 : i32
    %broadcast_in_dim3A_310 = vector.broadcast %broadcast_in_dim3A_309 : i32 to vector<16xi32>
    %add3A_311 = vector.broadcast %add3A_190 : i32 to vector<16xi32>
    %add3A_312 = arith.addi %add3A_311, %broadcast_in_dim3A_310 : vector<16xi32>
    %gather3A_313 = tpu.vector_load_idx %arg8[%add3A_312] : memref<256xi32, #tpu.memory_space<vmem>>[vector<16xi32>], vector<16xi32>,
    %eq3A_314 = arith.constant 1 : i32
    %eq3A_315 = vector.broadcast %eq3A_314 : i32 to vector<16xi32>
    %eq3A_316 = arith.cmpi eq, %gather3A_313, %eq3A_315 : vector<16xi32>
    %convert_element_type3A_317 = arith.extui %eq3A_316 : vector<16xi1> to vector<16xi32>
    %convert_element_type3A_318 = arith.sitofp %convert_element_type3A_317 : vector<16xi32> to vector<16xf32>
    %scan3A_319 = arith.constant 0 : i32
    %scan3A_320 = arith.constant 0 : i32
    %scan3A_321 = arith.constant 128 : i32
    %scan3A_322 = arith.addi %scan3A_320, %scan3A_321 : i32
    %scan3A_323 = arith.constant 1 : i32
    %scan3A_324 = scf.for %scan3A_675 = %scan3A_320 to %scan3A_322 step %scan3A_323 iter_args(%scan3A_676 = %scan3A_319) -> (i32)  : i32 {
      %mul3A_677 = arith.constant 16 : i32
      %mul3A_678 = arith.muli %scan3A_675, %mul3A_677 : i32
      %get3A = arith.constant 0 : i32
      %get3A_679 = arith.constant 6 : i32
      %get3A_680 = arith.index_cast %get3A : i32 to index
      %get3A_681 = arith.index_cast %get3A_679 : i32 to index
      %get3A_682 = arith.index_cast %mul3A_678 : i32 to index
      %get3A_683 = tpu.vector_load %arg6[%get3A_680, %get3A_681, %get3A_682] {strides = array<i32>} : memref<1x8x2048xf32, #tpu.memory_space<vmem>>, vector<16xf32>,
      %get3A_684 = arith.constant 6 : i32
      %get3A_685 = arith.index_cast %get3A_684 : i32 to index
      %get3A_686 = arith.index_cast %mul3A_678 : i32 to index
      %get3A_687 = tpu.vector_load %arg7[%get3A_685, %get3A_686] {strides = array<i32>} : memref<8x2048xf32, #tpu.memory_space<vmem>>, vector<16xf32>,
      %mul3A_688 = arith.mulf %get3A_687, %convert_element_type3A_318 : vector<16xf32>
      %add3A_689 = arith.addf %get3A_683, %mul3A_688 : vector<16xf32>
      %swap3A = arith.constant 0 : i32
      %swap3A_690 = arith.constant 6 : i32
      %swap3A_691 = arith.index_cast %swap3A : i32 to index
      %swap3A_692 = arith.index_cast %swap3A_690 : i32 to index
      %swap3A_693 = arith.index_cast %mul3A_678 : i32 to index
      %swap3A_694 = tpu.vector_load %arg6[%swap3A_691, %swap3A_692, %swap3A_693] {strides = array<i32>} : memref<1x8x2048xf32, #tpu.memory_space<vmem>>, vector<16xf32>,
      tpu.vector_store %arg6[%swap3A_691, %swap3A_692, %swap3A_693], %add3A_689 {strides = array<i32>} : memref<1x8x2048xf32, #tpu.memory_space<vmem>>, vector<16xf32>,
      %scan3A_695 = arith.constant 0 : i32
      scf.yield %scan3A_695 : i32
    }
    %scan3A_325 = arith.constant 128 : i32
    %broadcast_in_dim3A_326 = arith.constant 7 : i32
    %broadcast_in_dim3A_327 = vector.broadcast %broadcast_in_dim3A_326 : i32 to vector<16xi32>
    %add3A_328 = vector.broadcast %add3A_190 : i32 to vector<16xi32>
    %add3A_329 = arith.addi %add3A_328, %broadcast_in_dim3A_327 : vector<16xi32>
    %gather3A_330 = tpu.vector_load_idx %arg8[%add3A_329] : memref<256xi32, #tpu.memory_space<vmem>>[vector<16xi32>], vector<16xi32>,
    %eq3A_331 = arith.constant 1 : i32
    %eq3A_332 = vector.broadcast %eq3A_331 : i32 to vector<16xi32>
    %eq3A_333 = arith.cmpi eq, %gather3A_330, %eq3A_332 : vector<16xi32>
    %convert_element_type3A_334 = arith.extui %eq3A_333 : vector<16xi1> to vector<16xi32>
    %convert_element_type3A_335 = arith.sitofp %convert_element_type3A_334 : vector<16xi32> to vector<16xf32>
    %scan3A_336 = arith.constant 0 : i32
    %scan3A_337 = arith.constant 0 : i32
    %scan3A_338 = arith.constant 128 : i32
    %scan3A_339 = arith.addi %scan3A_337, %scan3A_338 : i32
    %scan3A_340 = arith.constant 1 : i32
    %scan3A_341 = scf.for %scan3A_675 = %scan3A_337 to %scan3A_339 step %scan3A_340 iter_args(%scan3A_676 = %scan3A_336) -> (i32)  : i32 {
      %mul3A_677 = arith.constant 16 : i32
      %mul3A_678 = arith.muli %scan3A_675, %mul3A_677 : i32
      %get3A = arith.constant 0 : i32
      %get3A_679 = arith.constant 7 : i32
      %get3A_680 = arith.index_cast %get3A : i32 to index
      %get3A_681 = arith.index_cast %get3A_679 : i32 to index
      %get3A_682 = arith.index_cast %mul3A_678 : i32 to index
      %get3A_683 = tpu.vector_load %arg6[%get3A_680, %get3A_681, %get3A_682] {strides = array<i32>} : memref<1x8x2048xf32, #tpu.memory_space<vmem>>, vector<16xf32>,
      %get3A_684 = arith.constant 7 : i32
      %get3A_685 = arith.index_cast %get3A_684 : i32 to index
      %get3A_686 = arith.index_cast %mul3A_678 : i32 to index
      %get3A_687 = tpu.vector_load %arg7[%get3A_685, %get3A_686] {strides = array<i32>} : memref<8x2048xf32, #tpu.memory_space<vmem>>, vector<16xf32>,
      %mul3A_688 = arith.mulf %get3A_687, %convert_element_type3A_335 : vector<16xf32>
      %add3A_689 = arith.addf %get3A_683, %mul3A_688 : vector<16xf32>
      %swap3A = arith.constant 0 : i32
      %swap3A_690 = arith.constant 7 : i32
      %swap3A_691 = arith.index_cast %swap3A : i32 to index
      %swap3A_692 = arith.index_cast %swap3A_690 : i32 to index
      %swap3A_693 = arith.index_cast %mul3A_678 : i32 to index
      %swap3A_694 = tpu.vector_load %arg6[%swap3A_691, %swap3A_692, %swap3A_693] {strides = array<i32>} : memref<1x8x2048xf32, #tpu.memory_space<vmem>>, vector<16xf32>,
      tpu.vector_store %arg6[%swap3A_691, %swap3A_692, %swap3A_693], %add3A_689 {strides = array<i32>} : memref<1x8x2048xf32, #tpu.memory_space<vmem>>, vector<16xf32>,
      %scan3A_695 = arith.constant 0 : i32
      scf.yield %scan3A_695 : i32
    }
    %scan3A_342 = arith.constant 128 : i32
    %dma_start3A_343 = arith.constant 0 : i32
    %dma_start3A_344 = tpu.memref_slice %arg5[%select_n3A, %add3A_190, %dma_start3A_343] : memref<4x256x2048xf32, #tpu.memory_space<hbm>> -> memref<1x8x2048xf32, #tpu.memory_space<hbm>>
    %dma_start3A_345 = arith.constant 0 : i32
    %dma_start3A_346 = tpu.memref_slice %arg5[%select_n3A, %add3A_190, %dma_start3A_345] : memref<4x256x2048xf32, #tpu.memory_space<hbm>> -> memref<1x8x2048xf32, #tpu.memory_space<hbm>>
    tpu.enqueue_dma source(%arg6 : memref<1x8x2048xf32, #tpu.memory_space<vmem>>) target(%dma_start3A_346 : memref<1x8x2048xf32, #tpu.memory_space<hbm>>) target_semaphore(%arg9 : memref<!tpu.dma_semaphore, #tpu.memory_space<semaphore_mem>>)
    %dma_wait3A_347 = arith.constant 0 : i32
    %dma_wait3A_348 = tpu.memref_slice %arg5[%select_n3A, %add3A_190, %dma_wait3A_347] : memref<4x256x2048xf32, #tpu.memory_space<hbm>> -> memref<1x8x2048xf32, #tpu.memory_space<hbm>>
    %dma_wait3A_349 = arith.constant 0 : i32
    %dma_wait3A_350 = tpu.memref_slice %arg5[%select_n3A, %add3A_190, %dma_wait3A_349] : memref<4x256x2048xf32, #tpu.memory_space<hbm>> -> memref<1x8x2048xf32, #tpu.memory_space<hbm>>
    tpu.wait_dma2 semaphore(%arg9 : memref<!tpu.dma_semaphore, #tpu.memory_space<semaphore_mem>>) src(%arg6 : memref<1x8x2048xf32, #tpu.memory_space<vmem>>) dst(%dma_wait3A_350 : memref<1x8x2048xf32, #tpu.memory_space<hbm>>)
    %add3A_351 = arith.constant 16 : i32
    %add3A_352 = arith.addi %mul3A_32, %add3A_351 : i32
    %dma_start3A_353 = arith.constant 0 : i32
    %dma_start3A_354 = tpu.memref_slice %arg2[%select_n3A, %add3A_352, %dma_start3A_353] : memref<4x4096x2048xf32, #tpu.memory_space<hbm>> -> memref<1x8x2048xf32, #tpu.memory_space<hbm>>
    %dma_start3A_355 = arith.constant 0 : i32
    %dma_start3A_356 = tpu.memref_slice %arg2[%select_n3A, %add3A_352, %dma_start3A_355] : memref<4x4096x2048xf32, #tpu.memory_space<hbm>> -> memref<1x8x2048xf32, #tpu.memory_space<hbm>>
    tpu.enqueue_dma source(%dma_start3A_356 : memref<1x8x2048xf32, #tpu.memory_space<hbm>>) target(%arg6 : memref<1x8x2048xf32, #tpu.memory_space<vmem>>) target_semaphore(%arg9 : memref<!tpu.dma_semaphore, #tpu.memory_space<semaphore_mem>>)
    %dma_wait3A_357 = arith.constant 0 : i32
    %dma_wait3A_358 = tpu.memref_slice %arg2[%select_n3A, %add3A_352, %dma_wait3A_357] : memref<4x4096x2048xf32, #tpu.memory_space<hbm>> -> memref<1x8x2048xf32, #tpu.memory_space<hbm>>
    %dma_wait3A_359 = arith.constant 0 : i32
    %dma_wait3A_360 = tpu.memref_slice %arg2[%select_n3A, %add3A_352, %dma_wait3A_359] : memref<4x4096x2048xf32, #tpu.memory_space<hbm>> -> memref<1x8x2048xf32, #tpu.memory_space<hbm>>
    tpu.wait_dma2 semaphore(%arg9 : memref<!tpu.dma_semaphore, #tpu.memory_space<semaphore_mem>>) src(%dma_wait3A_360 : memref<1x8x2048xf32, #tpu.memory_space<hbm>>) dst(%arg6 : memref<1x8x2048xf32, #tpu.memory_space<vmem>>)
    %dma_start3A_361 = arith.constant 0 : i32
    %dma_start3A_362 = tpu.memref_slice %arg4[%add3A_352, %dma_start3A_361] : memref<256x2048xf32, #tpu.memory_space<hbm>> -> memref<8x2048xf32, #tpu.memory_space<hbm>>
    %dma_start3A_363 = arith.constant 0 : i32
    %dma_start3A_364 = tpu.memref_slice %arg4[%add3A_352, %dma_start3A_363] : memref<256x2048xf32, #tpu.memory_space<hbm>> -> memref<8x2048xf32, #tpu.memory_space<hbm>>
    tpu.enqueue_dma source(%dma_start3A_364 : memref<8x2048xf32, #tpu.memory_space<hbm>>) target(%arg7 : memref<8x2048xf32, #tpu.memory_space<vmem>>) target_semaphore(%arg9 : memref<!tpu.dma_semaphore, #tpu.memory_space<semaphore_mem>>)
    %dma_wait3A_365 = arith.constant 0 : i32
    %dma_wait3A_366 = tpu.memref_slice %arg4[%add3A_352, %dma_wait3A_365] : memref<256x2048xf32, #tpu.memory_space<hbm>> -> memref<8x2048xf32, #tpu.memory_space<hbm>>
    %dma_wait3A_367 = arith.constant 0 : i32
    %dma_wait3A_368 = tpu.memref_slice %arg4[%add3A_352, %dma_wait3A_367] : memref<256x2048xf32, #tpu.memory_space<hbm>> -> memref<8x2048xf32, #tpu.memory_space<hbm>>
    tpu.wait_dma2 semaphore(%arg9 : memref<!tpu.dma_semaphore, #tpu.memory_space<semaphore_mem>>) src(%dma_wait3A_368 : memref<8x2048xf32, #tpu.memory_space<hbm>>) dst(%arg7 : memref<8x2048xf32, #tpu.memory_space<vmem>>)
    %broadcast_in_dim3A_369 = arith.constant 0 : i32
    %broadcast_in_dim3A_370 = vector.broadcast %broadcast_in_dim3A_369 : i32 to vector<16xi32>
    %add3A_371 = vector.broadcast %add3A_352 : i32 to vector<16xi32>
    %add3A_372 = arith.addi %add3A_371, %broadcast_in_dim3A_370 : vector<16xi32>
    %gather3A_373 = tpu.vector_load_idx %arg8[%add3A_372] : memref<256xi32, #tpu.memory_space<vmem>>[vector<16xi32>], vector<16xi32>,
    %eq3A_374 = arith.constant 1 : i32
    %eq3A_375 = vector.broadcast %eq3A_374 : i32 to vector<16xi32>
    %eq3A_376 = arith.cmpi eq, %gather3A_373, %eq3A_375 : vector<16xi32>
    %convert_element_type3A_377 = arith.extui %eq3A_376 : vector<16xi1> to vector<16xi32>
    %convert_element_type3A_378 = arith.sitofp %convert_element_type3A_377 : vector<16xi32> to vector<16xf32>
    %scan3A_379 = arith.constant 0 : i32
    %scan3A_380 = arith.constant 0 : i32
    %scan3A_381 = arith.constant 128 : i32
    %scan3A_382 = arith.addi %scan3A_380, %scan3A_381 : i32
    %scan3A_383 = arith.constant 1 : i32
    %scan3A_384 = scf.for %scan3A_675 = %scan3A_380 to %scan3A_382 step %scan3A_383 iter_args(%scan3A_676 = %scan3A_379) -> (i32)  : i32 {
      %mul3A_677 = arith.constant 16 : i32
      %mul3A_678 = arith.muli %scan3A_675, %mul3A_677 : i32
      %get3A = arith.constant 0 : i32
      %get3A_679 = arith.constant 0 : i32
      %get3A_680 = arith.index_cast %get3A : i32 to index
      %get3A_681 = arith.index_cast %get3A_679 : i32 to index
      %get3A_682 = arith.index_cast %mul3A_678 : i32 to index
      %get3A_683 = tpu.vector_load %arg6[%get3A_680, %get3A_681, %get3A_682] {strides = array<i32>} : memref<1x8x2048xf32, #tpu.memory_space<vmem>>, vector<16xf32>,
      %get3A_684 = arith.constant 0 : i32
      %get3A_685 = arith.index_cast %get3A_684 : i32 to index
      %get3A_686 = arith.index_cast %mul3A_678 : i32 to index
      %get3A_687 = tpu.vector_load %arg7[%get3A_685, %get3A_686] {strides = array<i32>} : memref<8x2048xf32, #tpu.memory_space<vmem>>, vector<16xf32>,
      %mul3A_688 = arith.mulf %get3A_687, %convert_element_type3A_378 : vector<16xf32>
      %add3A_689 = arith.addf %get3A_683, %mul3A_688 : vector<16xf32>
      %swap3A = arith.constant 0 : i32
      %swap3A_690 = arith.constant 0 : i32
      %swap3A_691 = arith.index_cast %swap3A : i32 to index
      %swap3A_692 = arith.index_cast %swap3A_690 : i32 to index
      %swap3A_693 = arith.index_cast %mul3A_678 : i32 to index
      %swap3A_694 = tpu.vector_load %arg6[%swap3A_691, %swap3A_692, %swap3A_693] {strides = array<i32>} : memref<1x8x2048xf32, #tpu.memory_space<vmem>>, vector<16xf32>,
      tpu.vector_store %arg6[%swap3A_691, %swap3A_692, %swap3A_693], %add3A_689 {strides = array<i32>} : memref<1x8x2048xf32, #tpu.memory_space<vmem>>, vector<16xf32>,
      %scan3A_695 = arith.constant 0 : i32
      scf.yield %scan3A_695 : i32
    }
    %scan3A_385 = arith.constant 128 : i32
    %broadcast_in_dim3A_386 = arith.constant 1 : i32
    %broadcast_in_dim3A_387 = vector.broadcast %broadcast_in_dim3A_386 : i32 to vector<16xi32>
    %add3A_388 = vector.broadcast %add3A_352 : i32 to vector<16xi32>
    %add3A_389 = arith.addi %add3A_388, %broadcast_in_dim3A_387 : vector<16xi32>
    %gather3A_390 = tpu.vector_load_idx %arg8[%add3A_389] : memref<256xi32, #tpu.memory_space<vmem>>[vector<16xi32>], vector<16xi32>,
    %eq3A_391 = arith.constant 1 : i32
    %eq3A_392 = vector.broadcast %eq3A_391 : i32 to vector<16xi32>
    %eq3A_393 = arith.cmpi eq, %gather3A_390, %eq3A_392 : vector<16xi32>
    %convert_element_type3A_394 = arith.extui %eq3A_393 : vector<16xi1> to vector<16xi32>
    %convert_element_type3A_395 = arith.sitofp %convert_element_type3A_394 : vector<16xi32> to vector<16xf32>
    %scan3A_396 = arith.constant 0 : i32
    %scan3A_397 = arith.constant 0 : i32
    %scan3A_398 = arith.constant 128 : i32
    %scan3A_399 = arith.addi %scan3A_397, %scan3A_398 : i32
    %scan3A_400 = arith.constant 1 : i32
    %scan3A_401 = scf.for %scan3A_675 = %scan3A_397 to %scan3A_399 step %scan3A_400 iter_args(%scan3A_676 = %scan3A_396) -> (i32)  : i32 {
      %mul3A_677 = arith.constant 16 : i32
      %mul3A_678 = arith.muli %scan3A_675, %mul3A_677 : i32
      %get3A = arith.constant 0 : i32
      %get3A_679 = arith.constant 1 : i32
      %get3A_680 = arith.index_cast %get3A : i32 to index
      %get3A_681 = arith.index_cast %get3A_679 : i32 to index
      %get3A_682 = arith.index_cast %mul3A_678 : i32 to index
      %get3A_683 = tpu.vector_load %arg6[%get3A_680, %get3A_681, %get3A_682] {strides = array<i32>} : memref<1x8x2048xf32, #tpu.memory_space<vmem>>, vector<16xf32>,
      %get3A_684 = arith.constant 1 : i32
      %get3A_685 = arith.index_cast %get3A_684 : i32 to index
      %get3A_686 = arith.index_cast %mul3A_678 : i32 to index
      %get3A_687 = tpu.vector_load %arg7[%get3A_685, %get3A_686] {strides = array<i32>} : memref<8x2048xf32, #tpu.memory_space<vmem>>, vector<16xf32>,
      %mul3A_688 = arith.mulf %get3A_687, %convert_element_type3A_395 : vector<16xf32>
      %add3A_689 = arith.addf %get3A_683, %mul3A_688 : vector<16xf32>
      %swap3A = arith.constant 0 : i32
      %swap3A_690 = arith.constant 1 : i32
      %swap3A_691 = arith.index_cast %swap3A : i32 to index
      %swap3A_692 = arith.index_cast %swap3A_690 : i32 to index
      %swap3A_693 = arith.index_cast %mul3A_678 : i32 to index
      %swap3A_694 = tpu.vector_load %arg6[%swap3A_691, %swap3A_692, %swap3A_693] {strides = array<i32>} : memref<1x8x2048xf32, #tpu.memory_space<vmem>>, vector<16xf32>,
      tpu.vector_store %arg6[%swap3A_691, %swap3A_692, %swap3A_693], %add3A_689 {strides = array<i32>} : memref<1x8x2048xf32, #tpu.memory_space<vmem>>, vector<16xf32>,
      %scan3A_695 = arith.constant 0 : i32
      scf.yield %scan3A_695 : i32
    }
    %scan3A_402 = arith.constant 128 : i32
    %broadcast_in_dim3A_403 = arith.constant 2 : i32
    %broadcast_in_dim3A_404 = vector.broadcast %broadcast_in_dim3A_403 : i32 to vector<16xi32>
    %add3A_405 = vector.broadcast %add3A_352 : i32 to vector<16xi32>
    %add3A_406 = arith.addi %add3A_405, %broadcast_in_dim3A_404 : vector<16xi32>
    %gather3A_407 = tpu.vector_load_idx %arg8[%add3A_406] : memref<256xi32, #tpu.memory_space<vmem>>[vector<16xi32>], vector<16xi32>,
    %eq3A_408 = arith.constant 1 : i32
    %eq3A_409 = vector.broadcast %eq3A_408 : i32 to vector<16xi32>
    %eq3A_410 = arith.cmpi eq, %gather3A_407, %eq3A_409 : vector<16xi32>
    %convert_element_type3A_411 = arith.extui %eq3A_410 : vector<16xi1> to vector<16xi32>
    %convert_element_type3A_412 = arith.sitofp %convert_element_type3A_411 : vector<16xi32> to vector<16xf32>
    %scan3A_413 = arith.constant 0 : i32
    %scan3A_414 = arith.constant 0 : i32
    %scan3A_415 = arith.constant 128 : i32
    %scan3A_416 = arith.addi %scan3A_414, %scan3A_415 : i32
    %scan3A_417 = arith.constant 1 : i32
    %scan3A_418 = scf.for %scan3A_675 = %scan3A_414 to %scan3A_416 step %scan3A_417 iter_args(%scan3A_676 = %scan3A_413) -> (i32)  : i32 {
      %mul3A_677 = arith.constant 16 : i32
      %mul3A_678 = arith.muli %scan3A_675, %mul3A_677 : i32
      %get3A = arith.constant 0 : i32
      %get3A_679 = arith.constant 2 : i32
      %get3A_680 = arith.index_cast %get3A : i32 to index
      %get3A_681 = arith.index_cast %get3A_679 : i32 to index
      %get3A_682 = arith.index_cast %mul3A_678 : i32 to index
      %get3A_683 = tpu.vector_load %arg6[%get3A_680, %get3A_681, %get3A_682] {strides = array<i32>} : memref<1x8x2048xf32, #tpu.memory_space<vmem>>, vector<16xf32>,
      %get3A_684 = arith.constant 2 : i32
      %get3A_685 = arith.index_cast %get3A_684 : i32 to index
      %get3A_686 = arith.index_cast %mul3A_678 : i32 to index
      %get3A_687 = tpu.vector_load %arg7[%get3A_685, %get3A_686] {strides = array<i32>} : memref<8x2048xf32, #tpu.memory_space<vmem>>, vector<16xf32>,
      %mul3A_688 = arith.mulf %get3A_687, %convert_element_type3A_412 : vector<16xf32>
      %add3A_689 = arith.addf %get3A_683, %mul3A_688 : vector<16xf32>
      %swap3A = arith.constant 0 : i32
      %swap3A_690 = arith.constant 2 : i32
      %swap3A_691 = arith.index_cast %swap3A : i32 to index
      %swap3A_692 = arith.index_cast %swap3A_690 : i32 to index
      %swap3A_693 = arith.index_cast %mul3A_678 : i32 to index
      %swap3A_694 = tpu.vector_load %arg6[%swap3A_691, %swap3A_692, %swap3A_693] {strides = array<i32>} : memref<1x8x2048xf32, #tpu.memory_space<vmem>>, vector<16xf32>,
      tpu.vector_store %arg6[%swap3A_691, %swap3A_692, %swap3A_693], %add3A_689 {strides = array<i32>} : memref<1x8x2048xf32, #tpu.memory_space<vmem>>, vector<16xf32>,
      %scan3A_695 = arith.constant 0 : i32
      scf.yield %scan3A_695 : i32
    }
    %scan3A_419 = arith.constant 128 : i32
    %broadcast_in_dim3A_420 = arith.constant 3 : i32
    %broadcast_in_dim3A_421 = vector.broadcast %broadcast_in_dim3A_420 : i32 to vector<16xi32>
    %add3A_422 = vector.broadcast %add3A_352 : i32 to vector<16xi32>
    %add3A_423 = arith.addi %add3A_422, %broadcast_in_dim3A_421 : vector<16xi32>
    %gather3A_424 = tpu.vector_load_idx %arg8[%add3A_423] : memref<256xi32, #tpu.memory_space<vmem>>[vector<16xi32>], vector<16xi32>,
    %eq3A_425 = arith.constant 1 : i32
    %eq3A_426 = vector.broadcast %eq3A_425 : i32 to vector<16xi32>
    %eq3A_427 = arith.cmpi eq, %gather3A_424, %eq3A_426 : vector<16xi32>
    %convert_element_type3A_428 = arith.extui %eq3A_427 : vector<16xi1> to vector<16xi32>
    %convert_element_type3A_429 = arith.sitofp %convert_element_type3A_428 : vector<16xi32> to vector<16xf32>
    %scan3A_430 = arith.constant 0 : i32
    %scan3A_431 = arith.constant 0 : i32
    %scan3A_432 = arith.constant 128 : i32
    %scan3A_433 = arith.addi %scan3A_431, %scan3A_432 : i32
    %scan3A_434 = arith.constant 1 : i32
    %scan3A_435 = scf.for %scan3A_675 = %scan3A_431 to %scan3A_433 step %scan3A_434 iter_args(%scan3A_676 = %scan3A_430) -> (i32)  : i32 {
      %mul3A_677 = arith.constant 16 : i32
      %mul3A_678 = arith.muli %scan3A_675, %mul3A_677 : i32
      %get3A = arith.constant 0 : i32
      %get3A_679 = arith.constant 3 : i32
      %get3A_680 = arith.index_cast %get3A : i32 to index
      %get3A_681 = arith.index_cast %get3A_679 : i32 to index
      %get3A_682 = arith.index_cast %mul3A_678 : i32 to index
      %get3A_683 = tpu.vector_load %arg6[%get3A_680, %get3A_681, %get3A_682] {strides = array<i32>} : memref<1x8x2048xf32, #tpu.memory_space<vmem>>, vector<16xf32>,
      %get3A_684 = arith.constant 3 : i32
      %get3A_685 = arith.index_cast %get3A_684 : i32 to index
      %get3A_686 = arith.index_cast %mul3A_678 : i32 to index
      %get3A_687 = tpu.vector_load %arg7[%get3A_685, %get3A_686] {strides = array<i32>} : memref<8x2048xf32, #tpu.memory_space<vmem>>, vector<16xf32>,
      %mul3A_688 = arith.mulf %get3A_687, %convert_element_type3A_429 : vector<16xf32>
      %add3A_689 = arith.addf %get3A_683, %mul3A_688 : vector<16xf32>
      %swap3A = arith.constant 0 : i32
      %swap3A_690 = arith.constant 3 : i32
      %swap3A_691 = arith.index_cast %swap3A : i32 to index
      %swap3A_692 = arith.index_cast %swap3A_690 : i32 to index
      %swap3A_693 = arith.index_cast %mul3A_678 : i32 to index
      %swap3A_694 = tpu.vector_load %arg6[%swap3A_691, %swap3A_692, %swap3A_693] {strides = array<i32>} : memref<1x8x2048xf32, #tpu.memory_space<vmem>>, vector<16xf32>,
      tpu.vector_store %arg6[%swap3A_691, %swap3A_692, %swap3A_693], %add3A_689 {strides = array<i32>} : memref<1x8x2048xf32, #tpu.memory_space<vmem>>, vector<16xf32>,
      %scan3A_695 = arith.constant 0 : i32
      scf.yield %scan3A_695 : i32
    }
    %scan3A_436 = arith.constant 128 : i32
    %broadcast_in_dim3A_437 = arith.constant 4 : i32
    %broadcast_in_dim3A_438 = vector.broadcast %broadcast_in_dim3A_437 : i32 to vector<16xi32>
    %add3A_439 = vector.broadcast %add3A_352 : i32 to vector<16xi32>
    %add3A_440 = arith.addi %add3A_439, %broadcast_in_dim3A_438 : vector<16xi32>
    %gather3A_441 = tpu.vector_load_idx %arg8[%add3A_440] : memref<256xi32, #tpu.memory_space<vmem>>[vector<16xi32>], vector<16xi32>,
    %eq3A_442 = arith.constant 1 : i32
    %eq3A_443 = vector.broadcast %eq3A_442 : i32 to vector<16xi32>
    %eq3A_444 = arith.cmpi eq, %gather3A_441, %eq3A_443 : vector<16xi32>
    %convert_element_type3A_445 = arith.extui %eq3A_444 : vector<16xi1> to vector<16xi32>
    %convert_element_type3A_446 = arith.sitofp %convert_element_type3A_445 : vector<16xi32> to vector<16xf32>
    %scan3A_447 = arith.constant 0 : i32
    %scan3A_448 = arith.constant 0 : i32
    %scan3A_449 = arith.constant 128 : i32
    %scan3A_450 = arith.addi %scan3A_448, %scan3A_449 : i32
    %scan3A_451 = arith.constant 1 : i32
    %scan3A_452 = scf.for %scan3A_675 = %scan3A_448 to %scan3A_450 step %scan3A_451 iter_args(%scan3A_676 = %scan3A_447) -> (i32)  : i32 {
      %mul3A_677 = arith.constant 16 : i32
      %mul3A_678 = arith.muli %scan3A_675, %mul3A_677 : i32
      %get3A = arith.constant 0 : i32
      %get3A_679 = arith.constant 4 : i32
      %get3A_680 = arith.index_cast %get3A : i32 to index
      %get3A_681 = arith.index_cast %get3A_679 : i32 to index
      %get3A_682 = arith.index_cast %mul3A_678 : i32 to index
      %get3A_683 = tpu.vector_load %arg6[%get3A_680, %get3A_681, %get3A_682] {strides = array<i32>} : memref<1x8x2048xf32, #tpu.memory_space<vmem>>, vector<16xf32>,
      %get3A_684 = arith.constant 4 : i32
      %get3A_685 = arith.index_cast %get3A_684 : i32 to index
      %get3A_686 = arith.index_cast %mul3A_678 : i32 to index
      %get3A_687 = tpu.vector_load %arg7[%get3A_685, %get3A_686] {strides = array<i32>} : memref<8x2048xf32, #tpu.memory_space<vmem>>, vector<16xf32>,
      %mul3A_688 = arith.mulf %get3A_687, %convert_element_type3A_446 : vector<16xf32>
      %add3A_689 = arith.addf %get3A_683, %mul3A_688 : vector<16xf32>
      %swap3A = arith.constant 0 : i32
      %swap3A_690 = arith.constant 4 : i32
      %swap3A_691 = arith.index_cast %swap3A : i32 to index
      %swap3A_692 = arith.index_cast %swap3A_690 : i32 to index
      %swap3A_693 = arith.index_cast %mul3A_678 : i32 to index
      %swap3A_694 = tpu.vector_load %arg6[%swap3A_691, %swap3A_692, %swap3A_693] {strides = array<i32>} : memref<1x8x2048xf32, #tpu.memory_space<vmem>>, vector<16xf32>,
      tpu.vector_store %arg6[%swap3A_691, %swap3A_692, %swap3A_693], %add3A_689 {strides = array<i32>} : memref<1x8x2048xf32, #tpu.memory_space<vmem>>, vector<16xf32>,
      %scan3A_695 = arith.constant 0 : i32
      scf.yield %scan3A_695 : i32
    }
    %scan3A_453 = arith.constant 128 : i32
    %broadcast_in_dim3A_454 = arith.constant 5 : i32
    %broadcast_in_dim3A_455 = vector.broadcast %broadcast_in_dim3A_454 : i32 to vector<16xi32>
    %add3A_456 = vector.broadcast %add3A_352 : i32 to vector<16xi32>
    %add3A_457 = arith.addi %add3A_456, %broadcast_in_dim3A_455 : vector<16xi32>
    %gather3A_458 = tpu.vector_load_idx %arg8[%add3A_457] : memref<256xi32, #tpu.memory_space<vmem>>[vector<16xi32>], vector<16xi32>,
    %eq3A_459 = arith.constant 1 : i32
    %eq3A_460 = vector.broadcast %eq3A_459 : i32 to vector<16xi32>
    %eq3A_461 = arith.cmpi eq, %gather3A_458, %eq3A_460 : vector<16xi32>
    %convert_element_type3A_462 = arith.extui %eq3A_461 : vector<16xi1> to vector<16xi32>
    %convert_element_type3A_463 = arith.sitofp %convert_element_type3A_462 : vector<16xi32> to vector<16xf32>
    %scan3A_464 = arith.constant 0 : i32
    %scan3A_465 = arith.constant 0 : i32
    %scan3A_466 = arith.constant 128 : i32
    %scan3A_467 = arith.addi %scan3A_465, %scan3A_466 : i32
    %scan3A_468 = arith.constant 1 : i32
    %scan3A_469 = scf.for %scan3A_675 = %scan3A_465 to %scan3A_467 step %scan3A_468 iter_args(%scan3A_676 = %scan3A_464) -> (i32)  : i32 {
      %mul3A_677 = arith.constant 16 : i32
      %mul3A_678 = arith.muli %scan3A_675, %mul3A_677 : i32
      %get3A = arith.constant 0 : i32
      %get3A_679 = arith.constant 5 : i32
      %get3A_680 = arith.index_cast %get3A : i32 to index
      %get3A_681 = arith.index_cast %get3A_679 : i32 to index
      %get3A_682 = arith.index_cast %mul3A_678 : i32 to index
      %get3A_683 = tpu.vector_load %arg6[%get3A_680, %get3A_681, %get3A_682] {strides = array<i32>} : memref<1x8x2048xf32, #tpu.memory_space<vmem>>, vector<16xf32>,
      %get3A_684 = arith.constant 5 : i32
      %get3A_685 = arith.index_cast %get3A_684 : i32 to index
      %get3A_686 = arith.index_cast %mul3A_678 : i32 to index
      %get3A_687 = tpu.vector_load %arg7[%get3A_685, %get3A_686] {strides = array<i32>} : memref<8x2048xf32, #tpu.memory_space<vmem>>, vector<16xf32>,
      %mul3A_688 = arith.mulf %get3A_687, %convert_element_type3A_463 : vector<16xf32>
      %add3A_689 = arith.addf %get3A_683, %mul3A_688 : vector<16xf32>
      %swap3A = arith.constant 0 : i32
      %swap3A_690 = arith.constant 5 : i32
      %swap3A_691 = arith.index_cast %swap3A : i32 to index
      %swap3A_692 = arith.index_cast %swap3A_690 : i32 to index
      %swap3A_693 = arith.index_cast %mul3A_678 : i32 to index
      %swap3A_694 = tpu.vector_load %arg6[%swap3A_691, %swap3A_692, %swap3A_693] {strides = array<i32>} : memref<1x8x2048xf32, #tpu.memory_space<vmem>>, vector<16xf32>,
      tpu.vector_store %arg6[%swap3A_691, %swap3A_692, %swap3A_693], %add3A_689 {strides = array<i32>} : memref<1x8x2048xf32, #tpu.memory_space<vmem>>, vector<16xf32>,
      %scan3A_695 = arith.constant 0 : i32
      scf.yield %scan3A_695 : i32
    }
    %scan3A_470 = arith.constant 128 : i32
    %broadcast_in_dim3A_471 = arith.constant 6 : i32
    %broadcast_in_dim3A_472 = vector.broadcast %broadcast_in_dim3A_471 : i32 to vector<16xi32>
    %add3A_473 = vector.broadcast %add3A_352 : i32 to vector<16xi32>
    %add3A_474 = arith.addi %add3A_473, %broadcast_in_dim3A_472 : vector<16xi32>
    %gather3A_475 = tpu.vector_load_idx %arg8[%add3A_474] : memref<256xi32, #tpu.memory_space<vmem>>[vector<16xi32>], vector<16xi32>,
    %eq3A_476 = arith.constant 1 : i32
    %eq3A_477 = vector.broadcast %eq3A_476 : i32 to vector<16xi32>
    %eq3A_478 = arith.cmpi eq, %gather3A_475, %eq3A_477 : vector<16xi32>
    %convert_element_type3A_479 = arith.extui %eq3A_478 : vector<16xi1> to vector<16xi32>
    %convert_element_type3A_480 = arith.sitofp %convert_element_type3A_479 : vector<16xi32> to vector<16xf32>
    %scan3A_481 = arith.constant 0 : i32
    %scan3A_482 = arith.constant 0 : i32
    %scan3A_483 = arith.constant 128 : i32
    %scan3A_484 = arith.addi %scan3A_482, %scan3A_483 : i32
    %scan3A_485 = arith.constant 1 : i32
    %scan3A_486 = scf.for %scan3A_675 = %scan3A_482 to %scan3A_484 step %scan3A_485 iter_args(%scan3A_676 = %scan3A_481) -> (i32)  : i32 {
      %mul3A_677 = arith.constant 16 : i32
      %mul3A_678 = arith.muli %scan3A_675, %mul3A_677 : i32
      %get3A = arith.constant 0 : i32
      %get3A_679 = arith.constant 6 : i32
      %get3A_680 = arith.index_cast %get3A : i32 to index
      %get3A_681 = arith.index_cast %get3A_679 : i32 to index
      %get3A_682 = arith.index_cast %mul3A_678 : i32 to index
      %get3A_683 = tpu.vector_load %arg6[%get3A_680, %get3A_681, %get3A_682] {strides = array<i32>} : memref<1x8x2048xf32, #tpu.memory_space<vmem>>, vector<16xf32>,
      %get3A_684 = arith.constant 6 : i32
      %get3A_685 = arith.index_cast %get3A_684 : i32 to index
      %get3A_686 = arith.index_cast %mul3A_678 : i32 to index
      %get3A_687 = tpu.vector_load %arg7[%get3A_685, %get3A_686] {strides = array<i32>} : memref<8x2048xf32, #tpu.memory_space<vmem>>, vector<16xf32>,
      %mul3A_688 = arith.mulf %get3A_687, %convert_element_type3A_480 : vector<16xf32>
      %add3A_689 = arith.addf %get3A_683, %mul3A_688 : vector<16xf32>
      %swap3A = arith.constant 0 : i32
      %swap3A_690 = arith.constant 6 : i32
      %swap3A_691 = arith.index_cast %swap3A : i32 to index
      %swap3A_692 = arith.index_cast %swap3A_690 : i32 to index
      %swap3A_693 = arith.index_cast %mul3A_678 : i32 to index
      %swap3A_694 = tpu.vector_load %arg6[%swap3A_691, %swap3A_692, %swap3A_693] {strides = array<i32>} : memref<1x8x2048xf32, #tpu.memory_space<vmem>>, vector<16xf32>,
      tpu.vector_store %arg6[%swap3A_691, %swap3A_692, %swap3A_693], %add3A_689 {strides = array<i32>} : memref<1x8x2048xf32, #tpu.memory_space<vmem>>, vector<16xf32>,
      %scan3A_695 = arith.constant 0 : i32
      scf.yield %scan3A_695 : i32
    }
    %scan3A_487 = arith.constant 128 : i32
    %broadcast_in_dim3A_488 = arith.constant 7 : i32
    %broadcast_in_dim3A_489 = vector.broadcast %broadcast_in_dim3A_488 : i32 to vector<16xi32>
    %add3A_490 = vector.broadcast %add3A_352 : i32 to vector<16xi32>
    %add3A_491 = arith.addi %add3A_490, %broadcast_in_dim3A_489 : vector<16xi32>
    %gather3A_492 = tpu.vector_load_idx %arg8[%add3A_491] : memref<256xi32, #tpu.memory_space<vmem>>[vector<16xi32>], vector<16xi32>,
    %eq3A_493 = arith.constant 1 : i32
    %eq3A_494 = vector.broadcast %eq3A_493 : i32 to vector<16xi32>
    %eq3A_495 = arith.cmpi eq, %gather3A_492, %eq3A_494 : vector<16xi32>
    %convert_element_type3A_496 = arith.extui %eq3A_495 : vector<16xi1> to vector<16xi32>
    %convert_element_type3A_497 = arith.sitofp %convert_element_type3A_496 : vector<16xi32> to vector<16xf32>
    %scan3A_498 = arith.constant 0 : i32
    %scan3A_499 = arith.constant 0 : i32
    %scan3A_500 = arith.constant 128 : i32
    %scan3A_501 = arith.addi %scan3A_499, %scan3A_500 : i32
    %scan3A_502 = arith.constant 1 : i32
    %scan3A_503 = scf.for %scan3A_675 = %scan3A_499 to %scan3A_501 step %scan3A_502 iter_args(%scan3A_676 = %scan3A_498) -> (i32)  : i32 {
      %mul3A_677 = arith.constant 16 : i32
      %mul3A_678 = arith.muli %scan3A_675, %mul3A_677 : i32
      %get3A = arith.constant 0 : i32
      %get3A_679 = arith.constant 7 : i32
      %get3A_680 = arith.index_cast %get3A : i32 to index
      %get3A_681 = arith.index_cast %get3A_679 : i32 to index
      %get3A_682 = arith.index_cast %mul3A_678 : i32 to index
      %get3A_683 = tpu.vector_load %arg6[%get3A_680, %get3A_681, %get3A_682] {strides = array<i32>} : memref<1x8x2048xf32, #tpu.memory_space<vmem>>, vector<16xf32>,
      %get3A_684 = arith.constant 7 : i32
      %get3A_685 = arith.index_cast %get3A_684 : i32 to index
      %get3A_686 = arith.index_cast %mul3A_678 : i32 to index
      %get3A_687 = tpu.vector_load %arg7[%get3A_685, %get3A_686] {strides = array<i32>} : memref<8x2048xf32, #tpu.memory_space<vmem>>, vector<16xf32>,
      %mul3A_688 = arith.mulf %get3A_687, %convert_element_type3A_497 : vector<16xf32>
      %add3A_689 = arith.addf %get3A_683, %mul3A_688 : vector<16xf32>
      %swap3A = arith.constant 0 : i32
      %swap3A_690 = arith.constant 7 : i32
      %swap3A_691 = arith.index_cast %swap3A : i32 to index
      %swap3A_692 = arith.index_cast %swap3A_690 : i32 to index
      %swap3A_693 = arith.index_cast %mul3A_678 : i32 to index
      %swap3A_694 = tpu.vector_load %arg6[%swap3A_691, %swap3A_692, %swap3A_693] {strides = array<i32>} : memref<1x8x2048xf32, #tpu.memory_space<vmem>>, vector<16xf32>,
      tpu.vector_store %arg6[%swap3A_691, %swap3A_692, %swap3A_693], %add3A_689 {strides = array<i32>} : memref<1x8x2048xf32, #tpu.memory_space<vmem>>, vector<16xf32>,
      %scan3A_695 = arith.constant 0 : i32
      scf.yield %scan3A_695 : i32
    }
    %scan3A_504 = arith.constant 128 : i32
    %dma_start3A_505 = arith.constant 0 : i32
    %dma_start3A_506 = tpu.memref_slice %arg5[%select_n3A, %add3A_352, %dma_start3A_505] : memref<4x256x2048xf32, #tpu.memory_space<hbm>> -> memref<1x8x2048xf32, #tpu.memory_space<hbm>>
    %dma_start3A_507 = arith.constant 0 : i32
    %dma_start3A_508 = tpu.memref_slice %arg5[%select_n3A, %add3A_352, %dma_start3A_507] : memref<4x256x2048xf32, #tpu.memory_space<hbm>> -> memref<1x8x2048xf32, #tpu.memory_space<hbm>>
    tpu.enqueue_dma source(%arg6 : memref<1x8x2048xf32, #tpu.memory_space<vmem>>) target(%dma_start3A_508 : memref<1x8x2048xf32, #tpu.memory_space<hbm>>) target_semaphore(%arg9 : memref<!tpu.dma_semaphore, #tpu.memory_space<semaphore_mem>>)
    %dma_wait3A_509 = arith.constant 0 : i32
    %dma_wait3A_510 = tpu.memref_slice %arg5[%select_n3A, %add3A_352, %dma_wait3A_509] : memref<4x256x2048xf32, #tpu.memory_space<hbm>> -> memref<1x8x2048xf32, #tpu.memory_space<hbm>>
    %dma_wait3A_511 = arith.constant 0 : i32
    %dma_wait3A_512 = tpu.memref_slice %arg5[%select_n3A, %add3A_352, %dma_wait3A_511] : memref<4x256x2048xf32, #tpu.memory_space<hbm>> -> memref<1x8x2048xf32, #tpu.memory_space<hbm>>
    tpu.wait_dma2 semaphore(%arg9 : memref<!tpu.dma_semaphore, #tpu.memory_space<semaphore_mem>>) src(%arg6 : memref<1x8x2048xf32, #tpu.memory_space<vmem>>) dst(%dma_wait3A_512 : memref<1x8x2048xf32, #tpu.memory_space<hbm>>)
    %add3A_513 = arith.constant 24 : i32
    %add3A_514 = arith.addi %mul3A_32, %add3A_513 : i32
    %dma_start3A_515 = arith.constant 0 : i32
    %dma_start3A_516 = tpu.memref_slice %arg2[%select_n3A, %add3A_514, %dma_start3A_515] : memref<4x4096x2048xf32, #tpu.memory_space<hbm>> -> memref<1x8x2048xf32, #tpu.memory_space<hbm>>
    %dma_start3A_517 = arith.constant 0 : i32
    %dma_start3A_518 = tpu.memref_slice %arg2[%select_n3A, %add3A_514, %dma_start3A_517] : memref<4x4096x2048xf32, #tpu.memory_space<hbm>> -> memref<1x8x2048xf32, #tpu.memory_space<hbm>>
    tpu.enqueue_dma source(%dma_start3A_518 : memref<1x8x2048xf32, #tpu.memory_space<hbm>>) target(%arg6 : memref<1x8x2048xf32, #tpu.memory_space<vmem>>) target_semaphore(%arg9 : memref<!tpu.dma_semaphore, #tpu.memory_space<semaphore_mem>>)
    %dma_wait3A_519 = arith.constant 0 : i32
    %dma_wait3A_520 = tpu.memref_slice %arg2[%select_n3A, %add3A_514, %dma_wait3A_519] : memref<4x4096x2048xf32, #tpu.memory_space<hbm>> -> memref<1x8x2048xf32, #tpu.memory_space<hbm>>
    %dma_wait3A_521 = arith.constant 0 : i32
    %dma_wait3A_522 = tpu.memref_slice %arg2[%select_n3A, %add3A_514, %dma_wait3A_521] : memref<4x4096x2048xf32, #tpu.memory_space<hbm>> -> memref<1x8x2048xf32, #tpu.memory_space<hbm>>
    tpu.wait_dma2 semaphore(%arg9 : memref<!tpu.dma_semaphore, #tpu.memory_space<semaphore_mem>>) src(%dma_wait3A_522 : memref<1x8x2048xf32, #tpu.memory_space<hbm>>) dst(%arg6 : memref<1x8x2048xf32, #tpu.memory_space<vmem>>)
    %dma_start3A_523 = arith.constant 0 : i32
    %dma_start3A_524 = tpu.memref_slice %arg4[%add3A_514, %dma_start3A_523] : memref<256x2048xf32, #tpu.memory_space<hbm>> -> memref<8x2048xf32, #tpu.memory_space<hbm>>
    %dma_start3A_525 = arith.constant 0 : i32
    %dma_start3A_526 = tpu.memref_slice %arg4[%add3A_514, %dma_start3A_525] : memref<256x2048xf32, #tpu.memory_space<hbm>> -> memref<8x2048xf32, #tpu.memory_space<hbm>>
    tpu.enqueue_dma source(%dma_start3A_526 : memref<8x2048xf32, #tpu.memory_space<hbm>>) target(%arg7 : memref<8x2048xf32, #tpu.memory_space<vmem>>) target_semaphore(%arg9 : memref<!tpu.dma_semaphore, #tpu.memory_space<semaphore_mem>>)
    %dma_wait3A_527 = arith.constant 0 : i32
    %dma_wait3A_528 = tpu.memref_slice %arg4[%add3A_514, %dma_wait3A_527] : memref<256x2048xf32, #tpu.memory_space<hbm>> -> memref<8x2048xf32, #tpu.memory_space<hbm>>
    %dma_wait3A_529 = arith.constant 0 : i32
    %dma_wait3A_530 = tpu.memref_slice %arg4[%add3A_514, %dma_wait3A_529] : memref<256x2048xf32, #tpu.memory_space<hbm>> -> memref<8x2048xf32, #tpu.memory_space<hbm>>
    tpu.wait_dma2 semaphore(%arg9 : memref<!tpu.dma_semaphore, #tpu.memory_space<semaphore_mem>>) src(%dma_wait3A_530 : memref<8x2048xf32, #tpu.memory_space<hbm>>) dst(%arg7 : memref<8x2048xf32, #tpu.memory_space<vmem>>)
    %broadcast_in_dim3A_531 = arith.constant 0 : i32
    %broadcast_in_dim3A_532 = vector.broadcast %broadcast_in_dim3A_531 : i32 to vector<16xi32>
    %add3A_533 = vector.broadcast %add3A_514 : i32 to vector<16xi32>
    %add3A_534 = arith.addi %add3A_533, %broadcast_in_dim3A_532 : vector<16xi32>
    %gather3A_535 = tpu.vector_load_idx %arg8[%add3A_534] : memref<256xi32, #tpu.memory_space<vmem>>[vector<16xi32>], vector<16xi32>,
    %eq3A_536 = arith.constant 1 : i32
    %eq3A_537 = vector.broadcast %eq3A_536 : i32 to vector<16xi32>
    %eq3A_538 = arith.cmpi eq, %gather3A_535, %eq3A_537 : vector<16xi32>
    %convert_element_type3A_539 = arith.extui %eq3A_538 : vector<16xi1> to vector<16xi32>
    %convert_element_type3A_540 = arith.sitofp %convert_element_type3A_539 : vector<16xi32> to vector<16xf32>
    %scan3A_541 = arith.constant 0 : i32
    %scan3A_542 = arith.constant 0 : i32
    %scan3A_543 = arith.constant 128 : i32
    %scan3A_544 = arith.addi %scan3A_542, %scan3A_543 : i32
    %scan3A_545 = arith.constant 1 : i32
    %scan3A_546 = scf.for %scan3A_675 = %scan3A_542 to %scan3A_544 step %scan3A_545 iter_args(%scan3A_676 = %scan3A_541) -> (i32)  : i32 {
      %mul3A_677 = arith.constant 16 : i32
      %mul3A_678 = arith.muli %scan3A_675, %mul3A_677 : i32
      %get3A = arith.constant 0 : i32
      %get3A_679 = arith.constant 0 : i32
      %get3A_680 = arith.index_cast %get3A : i32 to index
      %get3A_681 = arith.index_cast %get3A_679 : i32 to index
      %get3A_682 = arith.index_cast %mul3A_678 : i32 to index
      %get3A_683 = tpu.vector_load %arg6[%get3A_680, %get3A_681, %get3A_682] {strides = array<i32>} : memref<1x8x2048xf32, #tpu.memory_space<vmem>>, vector<16xf32>,
      %get3A_684 = arith.constant 0 : i32
      %get3A_685 = arith.index_cast %get3A_684 : i32 to index
      %get3A_686 = arith.index_cast %mul3A_678 : i32 to index
      %get3A_687 = tpu.vector_load %arg7[%get3A_685, %get3A_686] {strides = array<i32>} : memref<8x2048xf32, #tpu.memory_space<vmem>>, vector<16xf32>,
      %mul3A_688 = arith.mulf %get3A_687, %convert_element_type3A_540 : vector<16xf32>
      %add3A_689 = arith.addf %get3A_683, %mul3A_688 : vector<16xf32>
      %swap3A = arith.constant 0 : i32
      %swap3A_690 = arith.constant 0 : i32
      %swap3A_691 = arith.index_cast %swap3A : i32 to index
      %swap3A_692 = arith.index_cast %swap3A_690 : i32 to index
      %swap3A_693 = arith.index_cast %mul3A_678 : i32 to index
      %swap3A_694 = tpu.vector_load %arg6[%swap3A_691, %swap3A_692, %swap3A_693] {strides = array<i32>} : memref<1x8x2048xf32, #tpu.memory_space<vmem>>, vector<16xf32>,
      tpu.vector_store %arg6[%swap3A_691, %swap3A_692, %swap3A_693], %add3A_689 {strides = array<i32>} : memref<1x8x2048xf32, #tpu.memory_space<vmem>>, vector<16xf32>,
      %scan3A_695 = arith.constant 0 : i32
      scf.yield %scan3A_695 : i32
    }
    %scan3A_547 = arith.constant 128 : i32
    %broadcast_in_dim3A_548 = arith.constant 1 : i32
    %broadcast_in_dim3A_549 = vector.broadcast %broadcast_in_dim3A_548 : i32 to vector<16xi32>
    %add3A_550 = vector.broadcast %add3A_514 : i32 to vector<16xi32>
    %add3A_551 = arith.addi %add3A_550, %broadcast_in_dim3A_549 : vector<16xi32>
    %gather3A_552 = tpu.vector_load_idx %arg8[%add3A_551] : memref<256xi32, #tpu.memory_space<vmem>>[vector<16xi32>], vector<16xi32>,
    %eq3A_553 = arith.constant 1 : i32
    %eq3A_554 = vector.broadcast %eq3A_553 : i32 to vector<16xi32>
    %eq3A_555 = arith.cmpi eq, %gather3A_552, %eq3A_554 : vector<16xi32>
    %convert_element_type3A_556 = arith.extui %eq3A_555 : vector<16xi1> to vector<16xi32>
    %convert_element_type3A_557 = arith.sitofp %convert_element_type3A_556 : vector<16xi32> to vector<16xf32>
    %scan3A_558 = arith.constant 0 : i32
    %scan3A_559 = arith.constant 0 : i32
    %scan3A_560 = arith.constant 128 : i32
    %scan3A_561 = arith.addi %scan3A_559, %scan3A_560 : i32
    %scan3A_562 = arith.constant 1 : i32
    %scan3A_563 = scf.for %scan3A_675 = %scan3A_559 to %scan3A_561 step %scan3A_562 iter_args(%scan3A_676 = %scan3A_558) -> (i32)  : i32 {
      %mul3A_677 = arith.constant 16 : i32
      %mul3A_678 = arith.muli %scan3A_675, %mul3A_677 : i32
      %get3A = arith.constant 0 : i32
      %get3A_679 = arith.constant 1 : i32
      %get3A_680 = arith.index_cast %get3A : i32 to index
      %get3A_681 = arith.index_cast %get3A_679 : i32 to index
      %get3A_682 = arith.index_cast %mul3A_678 : i32 to index
      %get3A_683 = tpu.vector_load %arg6[%get3A_680, %get3A_681, %get3A_682] {strides = array<i32>} : memref<1x8x2048xf32, #tpu.memory_space<vmem>>, vector<16xf32>,
      %get3A_684 = arith.constant 1 : i32
      %get3A_685 = arith.index_cast %get3A_684 : i32 to index
      %get3A_686 = arith.index_cast %mul3A_678 : i32 to index
      %get3A_687 = tpu.vector_load %arg7[%get3A_685, %get3A_686] {strides = array<i32>} : memref<8x2048xf32, #tpu.memory_space<vmem>>, vector<16xf32>,
      %mul3A_688 = arith.mulf %get3A_687, %convert_element_type3A_557 : vector<16xf32>
      %add3A_689 = arith.addf %get3A_683, %mul3A_688 : vector<16xf32>
      %swap3A = arith.constant 0 : i32
      %swap3A_690 = arith.constant 1 : i32
      %swap3A_691 = arith.index_cast %swap3A : i32 to index
      %swap3A_692 = arith.index_cast %swap3A_690 : i32 to index
      %swap3A_693 = arith.index_cast %mul3A_678 : i32 to index
      %swap3A_694 = tpu.vector_load %arg6[%swap3A_691, %swap3A_692, %swap3A_693] {strides = array<i32>} : memref<1x8x2048xf32, #tpu.memory_space<vmem>>, vector<16xf32>,
      tpu.vector_store %arg6[%swap3A_691, %swap3A_692, %swap3A_693], %add3A_689 {strides = array<i32>} : memref<1x8x2048xf32, #tpu.memory_space<vmem>>, vector<16xf32>,
      %scan3A_695 = arith.constant 0 : i32
      scf.yield %scan3A_695 : i32
    }
    %scan3A_564 = arith.constant 128 : i32
    %broadcast_in_dim3A_565 = arith.constant 2 : i32
    %broadcast_in_dim3A_566 = vector.broadcast %broadcast_in_dim3A_565 : i32 to vector<16xi32>
    %add3A_567 = vector.broadcast %add3A_514 : i32 to vector<16xi32>
    %add3A_568 = arith.addi %add3A_567, %broadcast_in_dim3A_566 : vector<16xi32>
    %gather3A_569 = tpu.vector_load_idx %arg8[%add3A_568] : memref<256xi32, #tpu.memory_space<vmem>>[vector<16xi32>], vector<16xi32>,
    %eq3A_570 = arith.constant 1 : i32
    %eq3A_571 = vector.broadcast %eq3A_570 : i32 to vector<16xi32>
    %eq3A_572 = arith.cmpi eq, %gather3A_569, %eq3A_571 : vector<16xi32>
    %convert_element_type3A_573 = arith.extui %eq3A_572 : vector<16xi1> to vector<16xi32>
    %convert_element_type3A_574 = arith.sitofp %convert_element_type3A_573 : vector<16xi32> to vector<16xf32>
    %scan3A_575 = arith.constant 0 : i32
    %scan3A_576 = arith.constant 0 : i32
    %scan3A_577 = arith.constant 128 : i32
    %scan3A_578 = arith.addi %scan3A_576, %scan3A_577 : i32
    %scan3A_579 = arith.constant 1 : i32
    %scan3A_580 = scf.for %scan3A_675 = %scan3A_576 to %scan3A_578 step %scan3A_579 iter_args(%scan3A_676 = %scan3A_575) -> (i32)  : i32 {
      %mul3A_677 = arith.constant 16 : i32
      %mul3A_678 = arith.muli %scan3A_675, %mul3A_677 : i32
      %get3A = arith.constant 0 : i32
      %get3A_679 = arith.constant 2 : i32
      %get3A_680 = arith.index_cast %get3A : i32 to index
      %get3A_681 = arith.index_cast %get3A_679 : i32 to index
      %get3A_682 = arith.index_cast %mul3A_678 : i32 to index
      %get3A_683 = tpu.vector_load %arg6[%get3A_680, %get3A_681, %get3A_682] {strides = array<i32>} : memref<1x8x2048xf32, #tpu.memory_space<vmem>>, vector<16xf32>,
      %get3A_684 = arith.constant 2 : i32
      %get3A_685 = arith.index_cast %get3A_684 : i32 to index
      %get3A_686 = arith.index_cast %mul3A_678 : i32 to index
      %get3A_687 = tpu.vector_load %arg7[%get3A_685, %get3A_686] {strides = array<i32>} : memref<8x2048xf32, #tpu.memory_space<vmem>>, vector<16xf32>,
      %mul3A_688 = arith.mulf %get3A_687, %convert_element_type3A_574 : vector<16xf32>
      %add3A_689 = arith.addf %get3A_683, %mul3A_688 : vector<16xf32>
      %swap3A = arith.constant 0 : i32
      %swap3A_690 = arith.constant 2 : i32
      %swap3A_691 = arith.index_cast %swap3A : i32 to index
      %swap3A_692 = arith.index_cast %swap3A_690 : i32 to index
      %swap3A_693 = arith.index_cast %mul3A_678 : i32 to index
      %swap3A_694 = tpu.vector_load %arg6[%swap3A_691, %swap3A_692, %swap3A_693] {strides = array<i32>} : memref<1x8x2048xf32, #tpu.memory_space<vmem>>, vector<16xf32>,
      tpu.vector_store %arg6[%swap3A_691, %swap3A_692, %swap3A_693], %add3A_689 {strides = array<i32>} : memref<1x8x2048xf32, #tpu.memory_space<vmem>>, vector<16xf32>,
      %scan3A_695 = arith.constant 0 : i32
      scf.yield %scan3A_695 : i32
    }
    %scan3A_581 = arith.constant 128 : i32
    %broadcast_in_dim3A_582 = arith.constant 3 : i32
    %broadcast_in_dim3A_583 = vector.broadcast %broadcast_in_dim3A_582 : i32 to vector<16xi32>
    %add3A_584 = vector.broadcast %add3A_514 : i32 to vector<16xi32>
    %add3A_585 = arith.addi %add3A_584, %broadcast_in_dim3A_583 : vector<16xi32>
    %gather3A_586 = tpu.vector_load_idx %arg8[%add3A_585] : memref<256xi32, #tpu.memory_space<vmem>>[vector<16xi32>], vector<16xi32>,
    %eq3A_587 = arith.constant 1 : i32
    %eq3A_588 = vector.broadcast %eq3A_587 : i32 to vector<16xi32>
    %eq3A_589 = arith.cmpi eq, %gather3A_586, %eq3A_588 : vector<16xi32>
    %convert_element_type3A_590 = arith.extui %eq3A_589 : vector<16xi1> to vector<16xi32>
    %convert_element_type3A_591 = arith.sitofp %convert_element_type3A_590 : vector<16xi32> to vector<16xf32>
    %scan3A_592 = arith.constant 0 : i32
    %scan3A_593 = arith.constant 0 : i32
    %scan3A_594 = arith.constant 128 : i32
    %scan3A_595 = arith.addi %scan3A_593, %scan3A_594 : i32
    %scan3A_596 = arith.constant 1 : i32
    %scan3A_597 = scf.for %scan3A_675 = %scan3A_593 to %scan3A_595 step %scan3A_596 iter_args(%scan3A_676 = %scan3A_592) -> (i32)  : i32 {
      %mul3A_677 = arith.constant 16 : i32
      %mul3A_678 = arith.muli %scan3A_675, %mul3A_677 : i32
      %get3A = arith.constant 0 : i32
      %get3A_679 = arith.constant 3 : i32
      %get3A_680 = arith.index_cast %get3A : i32 to index
      %get3A_681 = arith.index_cast %get3A_679 : i32 to index
      %get3A_682 = arith.index_cast %mul3A_678 : i32 to index
      %get3A_683 = tpu.vector_load %arg6[%get3A_680, %get3A_681, %get3A_682] {strides = array<i32>} : memref<1x8x2048xf32, #tpu.memory_space<vmem>>, vector<16xf32>,
      %get3A_684 = arith.constant 3 : i32
      %get3A_685 = arith.index_cast %get3A_684 : i32 to index
      %get3A_686 = arith.index_cast %mul3A_678 : i32 to index
      %get3A_687 = tpu.vector_load %arg7[%get3A_685, %get3A_686] {strides = array<i32>} : memref<8x2048xf32, #tpu.memory_space<vmem>>, vector<16xf32>,
      %mul3A_688 = arith.mulf %get3A_687, %convert_element_type3A_591 : vector<16xf32>
      %add3A_689 = arith.addf %get3A_683, %mul3A_688 : vector<16xf32>
      %swap3A = arith.constant 0 : i32
      %swap3A_690 = arith.constant 3 : i32
      %swap3A_691 = arith.index_cast %swap3A : i32 to index
      %swap3A_692 = arith.index_cast %swap3A_690 : i32 to index
      %swap3A_693 = arith.index_cast %mul3A_678 : i32 to index
      %swap3A_694 = tpu.vector_load %arg6[%swap3A_691, %swap3A_692, %swap3A_693] {strides = array<i32>} : memref<1x8x2048xf32, #tpu.memory_space<vmem>>, vector<16xf32>,
      tpu.vector_store %arg6[%swap3A_691, %swap3A_692, %swap3A_693], %add3A_689 {strides = array<i32>} : memref<1x8x2048xf32, #tpu.memory_space<vmem>>, vector<16xf32>,
      %scan3A_695 = arith.constant 0 : i32
      scf.yield %scan3A_695 : i32
    }
    %scan3A_598 = arith.constant 128 : i32
    %broadcast_in_dim3A_599 = arith.constant 4 : i32
    %broadcast_in_dim3A_600 = vector.broadcast %broadcast_in_dim3A_599 : i32 to vector<16xi32>
    %add3A_601 = vector.broadcast %add3A_514 : i32 to vector<16xi32>
    %add3A_602 = arith.addi %add3A_601, %broadcast_in_dim3A_600 : vector<16xi32>
    %gather3A_603 = tpu.vector_load_idx %arg8[%add3A_602] : memref<256xi32, #tpu.memory_space<vmem>>[vector<16xi32>], vector<16xi32>,
    %eq3A_604 = arith.constant 1 : i32
    %eq3A_605 = vector.broadcast %eq3A_604 : i32 to vector<16xi32>
    %eq3A_606 = arith.cmpi eq, %gather3A_603, %eq3A_605 : vector<16xi32>
    %convert_element_type3A_607 = arith.extui %eq3A_606 : vector<16xi1> to vector<16xi32>
    %convert_element_type3A_608 = arith.sitofp %convert_element_type3A_607 : vector<16xi32> to vector<16xf32>
    %scan3A_609 = arith.constant 0 : i32
    %scan3A_610 = arith.constant 0 : i32
    %scan3A_611 = arith.constant 128 : i32
    %scan3A_612 = arith.addi %scan3A_610, %scan3A_611 : i32
    %scan3A_613 = arith.constant 1 : i32
    %scan3A_614 = scf.for %scan3A_675 = %scan3A_610 to %scan3A_612 step %scan3A_613 iter_args(%scan3A_676 = %scan3A_609) -> (i32)  : i32 {
      %mul3A_677 = arith.constant 16 : i32
      %mul3A_678 = arith.muli %scan3A_675, %mul3A_677 : i32
      %get3A = arith.constant 0 : i32
      %get3A_679 = arith.constant 4 : i32
      %get3A_680 = arith.index_cast %get3A : i32 to index
      %get3A_681 = arith.index_cast %get3A_679 : i32 to index
      %get3A_682 = arith.index_cast %mul3A_678 : i32 to index
      %get3A_683 = tpu.vector_load %arg6[%get3A_680, %get3A_681, %get3A_682] {strides = array<i32>} : memref<1x8x2048xf32, #tpu.memory_space<vmem>>, vector<16xf32>,
      %get3A_684 = arith.constant 4 : i32
      %get3A_685 = arith.index_cast %get3A_684 : i32 to index
      %get3A_686 = arith.index_cast %mul3A_678 : i32 to index
      %get3A_687 = tpu.vector_load %arg7[%get3A_685, %get3A_686] {strides = array<i32>} : memref<8x2048xf32, #tpu.memory_space<vmem>>, vector<16xf32>,
      %mul3A_688 = arith.mulf %get3A_687, %convert_element_type3A_608 : vector<16xf32>
      %add3A_689 = arith.addf %get3A_683, %mul3A_688 : vector<16xf32>
      %swap3A = arith.constant 0 : i32
      %swap3A_690 = arith.constant 4 : i32
      %swap3A_691 = arith.index_cast %swap3A : i32 to index
      %swap3A_692 = arith.index_cast %swap3A_690 : i32 to index
      %swap3A_693 = arith.index_cast %mul3A_678 : i32 to index
      %swap3A_694 = tpu.vector_load %arg6[%swap3A_691, %swap3A_692, %swap3A_693] {strides = array<i32>} : memref<1x8x2048xf32, #tpu.memory_space<vmem>>, vector<16xf32>,
      tpu.vector_store %arg6[%swap3A_691, %swap3A_692, %swap3A_693], %add3A_689 {strides = array<i32>} : memref<1x8x2048xf32, #tpu.memory_space<vmem>>, vector<16xf32>,
      %scan3A_695 = arith.constant 0 : i32
      scf.yield %scan3A_695 : i32
    }
    %scan3A_615 = arith.constant 128 : i32
    %broadcast_in_dim3A_616 = arith.constant 5 : i32
    %broadcast_in_dim3A_617 = vector.broadcast %broadcast_in_dim3A_616 : i32 to vector<16xi32>
    %add3A_618 = vector.broadcast %add3A_514 : i32 to vector<16xi32>
    %add3A_619 = arith.addi %add3A_618, %broadcast_in_dim3A_617 : vector<16xi32>
    %gather3A_620 = tpu.vector_load_idx %arg8[%add3A_619] : memref<256xi32, #tpu.memory_space<vmem>>[vector<16xi32>], vector<16xi32>,
    %eq3A_621 = arith.constant 1 : i32
    %eq3A_622 = vector.broadcast %eq3A_621 : i32 to vector<16xi32>
    %eq3A_623 = arith.cmpi eq, %gather3A_620, %eq3A_622 : vector<16xi32>
    %convert_element_type3A_624 = arith.extui %eq3A_623 : vector<16xi1> to vector<16xi32>
    %convert_element_type3A_625 = arith.sitofp %convert_element_type3A_624 : vector<16xi32> to vector<16xf32>
    %scan3A_626 = arith.constant 0 : i32
    %scan3A_627 = arith.constant 0 : i32
    %scan3A_628 = arith.constant 128 : i32
    %scan3A_629 = arith.addi %scan3A_627, %scan3A_628 : i32
    %scan3A_630 = arith.constant 1 : i32
    %scan3A_631 = scf.for %scan3A_675 = %scan3A_627 to %scan3A_629 step %scan3A_630 iter_args(%scan3A_676 = %scan3A_626) -> (i32)  : i32 {
      %mul3A_677 = arith.constant 16 : i32
      %mul3A_678 = arith.muli %scan3A_675, %mul3A_677 : i32
      %get3A = arith.constant 0 : i32
      %get3A_679 = arith.constant 5 : i32
      %get3A_680 = arith.index_cast %get3A : i32 to index
      %get3A_681 = arith.index_cast %get3A_679 : i32 to index
      %get3A_682 = arith.index_cast %mul3A_678 : i32 to index
      %get3A_683 = tpu.vector_load %arg6[%get3A_680, %get3A_681, %get3A_682] {strides = array<i32>} : memref<1x8x2048xf32, #tpu.memory_space<vmem>>, vector<16xf32>,
      %get3A_684 = arith.constant 5 : i32
      %get3A_685 = arith.index_cast %get3A_684 : i32 to index
      %get3A_686 = arith.index_cast %mul3A_678 : i32 to index
      %get3A_687 = tpu.vector_load %arg7[%get3A_685, %get3A_686] {strides = array<i32>} : memref<8x2048xf32, #tpu.memory_space<vmem>>, vector<16xf32>,
      %mul3A_688 = arith.mulf %get3A_687, %convert_element_type3A_625 : vector<16xf32>
      %add3A_689 = arith.addf %get3A_683, %mul3A_688 : vector<16xf32>
      %swap3A = arith.constant 0 : i32
      %swap3A_690 = arith.constant 5 : i32
      %swap3A_691 = arith.index_cast %swap3A : i32 to index
      %swap3A_692 = arith.index_cast %swap3A_690 : i32 to index
      %swap3A_693 = arith.index_cast %mul3A_678 : i32 to index
      %swap3A_694 = tpu.vector_load %arg6[%swap3A_691, %swap3A_692, %swap3A_693] {strides = array<i32>} : memref<1x8x2048xf32, #tpu.memory_space<vmem>>, vector<16xf32>,
      tpu.vector_store %arg6[%swap3A_691, %swap3A_692, %swap3A_693], %add3A_689 {strides = array<i32>} : memref<1x8x2048xf32, #tpu.memory_space<vmem>>, vector<16xf32>,
      %scan3A_695 = arith.constant 0 : i32
      scf.yield %scan3A_695 : i32
    }
    %scan3A_632 = arith.constant 128 : i32
    %broadcast_in_dim3A_633 = arith.constant 6 : i32
    %broadcast_in_dim3A_634 = vector.broadcast %broadcast_in_dim3A_633 : i32 to vector<16xi32>
    %add3A_635 = vector.broadcast %add3A_514 : i32 to vector<16xi32>
    %add3A_636 = arith.addi %add3A_635, %broadcast_in_dim3A_634 : vector<16xi32>
    %gather3A_637 = tpu.vector_load_idx %arg8[%add3A_636] : memref<256xi32, #tpu.memory_space<vmem>>[vector<16xi32>], vector<16xi32>,
    %eq3A_638 = arith.constant 1 : i32
    %eq3A_639 = vector.broadcast %eq3A_638 : i32 to vector<16xi32>
    %eq3A_640 = arith.cmpi eq, %gather3A_637, %eq3A_639 : vector<16xi32>
    %convert_element_type3A_641 = arith.extui %eq3A_640 : vector<16xi1> to vector<16xi32>
    %convert_element_type3A_642 = arith.sitofp %convert_element_type3A_641 : vector<16xi32> to vector<16xf32>
    %scan3A_643 = arith.constant 0 : i32
    %scan3A_644 = arith.constant 0 : i32
    %scan3A_645 = arith.constant 128 : i32
    %scan3A_646 = arith.addi %scan3A_644, %scan3A_645 : i32
    %scan3A_647 = arith.constant 1 : i32
    %scan3A_648 = scf.for %scan3A_675 = %scan3A_644 to %scan3A_646 step %scan3A_647 iter_args(%scan3A_676 = %scan3A_643) -> (i32)  : i32 {
      %mul3A_677 = arith.constant 16 : i32
      %mul3A_678 = arith.muli %scan3A_675, %mul3A_677 : i32
      %get3A = arith.constant 0 : i32
      %get3A_679 = arith.constant 6 : i32
      %get3A_680 = arith.index_cast %get3A : i32 to index
      %get3A_681 = arith.index_cast %get3A_679 : i32 to index
      %get3A_682 = arith.index_cast %mul3A_678 : i32 to index
      %get3A_683 = tpu.vector_load %arg6[%get3A_680, %get3A_681, %get3A_682] {strides = array<i32>} : memref<1x8x2048xf32, #tpu.memory_space<vmem>>, vector<16xf32>,
      %get3A_684 = arith.constant 6 : i32
      %get3A_685 = arith.index_cast %get3A_684 : i32 to index
      %get3A_686 = arith.index_cast %mul3A_678 : i32 to index
      %get3A_687 = tpu.vector_load %arg7[%get3A_685, %get3A_686] {strides = array<i32>} : memref<8x2048xf32, #tpu.memory_space<vmem>>, vector<16xf32>,
      %mul3A_688 = arith.mulf %get3A_687, %convert_element_type3A_642 : vector<16xf32>
      %add3A_689 = arith.addf %get3A_683, %mul3A_688 : vector<16xf32>
      %swap3A = arith.constant 0 : i32
      %swap3A_690 = arith.constant 6 : i32
      %swap3A_691 = arith.index_cast %swap3A : i32 to index
      %swap3A_692 = arith.index_cast %swap3A_690 : i32 to index
      %swap3A_693 = arith.index_cast %mul3A_678 : i32 to index
      %swap3A_694 = tpu.vector_load %arg6[%swap3A_691, %swap3A_692, %swap3A_693] {strides = array<i32>} : memref<1x8x2048xf32, #tpu.memory_space<vmem>>, vector<16xf32>,
      tpu.vector_store %arg6[%swap3A_691, %swap3A_692, %swap3A_693], %add3A_689 {strides = array<i32>} : memref<1x8x2048xf32, #tpu.memory_space<vmem>>, vector<16xf32>,
      %scan3A_695 = arith.constant 0 : i32
      scf.yield %scan3A_695 : i32
    }
    %scan3A_649 = arith.constant 128 : i32
    %broadcast_in_dim3A_650 = arith.constant 7 : i32
    %broadcast_in_dim3A_651 = vector.broadcast %broadcast_in_dim3A_650 : i32 to vector<16xi32>
    %add3A_652 = vector.broadcast %add3A_514 : i32 to vector<16xi32>
    %add3A_653 = arith.addi %add3A_652, %broadcast_in_dim3A_651 : vector<16xi32>
    %gather3A_654 = tpu.vector_load_idx %arg8[%add3A_653] : memref<256xi32, #tpu.memory_space<vmem>>[vector<16xi32>], vector<16xi32>,
    %eq3A_655 = arith.constant 1 : i32
    %eq3A_656 = vector.broadcast %eq3A_655 : i32 to vector<16xi32>
    %eq3A_657 = arith.cmpi eq, %gather3A_654, %eq3A_656 : vector<16xi32>
    %convert_element_type3A_658 = arith.extui %eq3A_657 : vector<16xi1> to vector<16xi32>
    %convert_element_type3A_659 = arith.sitofp %convert_element_type3A_658 : vector<16xi32> to vector<16xf32>
    %scan3A_660 = arith.constant 0 : i32
    %scan3A_661 = arith.constant 0 : i32
    %scan3A_662 = arith.constant 128 : i32
    %scan3A_663 = arith.addi %scan3A_661, %scan3A_662 : i32
    %scan3A_664 = arith.constant 1 : i32
    %scan3A_665 = scf.for %scan3A_675 = %scan3A_661 to %scan3A_663 step %scan3A_664 iter_args(%scan3A_676 = %scan3A_660) -> (i32)  : i32 {
      %mul3A_677 = arith.constant 16 : i32
      %mul3A_678 = arith.muli %scan3A_675, %mul3A_677 : i32
      %get3A = arith.constant 0 : i32
      %get3A_679 = arith.constant 7 : i32
      %get3A_680 = arith.index_cast %get3A : i32 to index
      %get3A_681 = arith.index_cast %get3A_679 : i32 to index
      %get3A_682 = arith.index_cast %mul3A_678 : i32 to index
      %get3A_683 = tpu.vector_load %arg6[%get3A_680, %get3A_681, %get3A_682] {strides = array<i32>} : memref<1x8x2048xf32, #tpu.memory_space<vmem>>, vector<16xf32>,
      %get3A_684 = arith.constant 7 : i32
      %get3A_685 = arith.index_cast %get3A_684 : i32 to index
      %get3A_686 = arith.index_cast %mul3A_678 : i32 to index
      %get3A_687 = tpu.vector_load %arg7[%get3A_685, %get3A_686] {strides = array<i32>} : memref<8x2048xf32, #tpu.memory_space<vmem>>, vector<16xf32>,
      %mul3A_688 = arith.mulf %get3A_687, %convert_element_type3A_659 : vector<16xf32>
      %add3A_689 = arith.addf %get3A_683, %mul3A_688 : vector<16xf32>
      %swap3A = arith.constant 0 : i32
      %swap3A_690 = arith.constant 7 : i32
      %swap3A_691 = arith.index_cast %swap3A : i32 to index
      %swap3A_692 = arith.index_cast %swap3A_690 : i32 to index
      %swap3A_693 = arith.index_cast %mul3A_678 : i32 to index
      %swap3A_694 = tpu.vector_load %arg6[%swap3A_691, %swap3A_692, %swap3A_693] {strides = array<i32>} : memref<1x8x2048xf32, #tpu.memory_space<vmem>>, vector<16xf32>,
      tpu.vector_store %arg6[%swap3A_691, %swap3A_692, %swap3A_693], %add3A_689 {strides = array<i32>} : memref<1x8x2048xf32, #tpu.memory_space<vmem>>, vector<16xf32>,
      %scan3A_695 = arith.constant 0 : i32
      scf.yield %scan3A_695 : i32
    }
    %scan3A_666 = arith.constant 128 : i32
    %dma_start3A_667 = arith.constant 0 : i32
    %dma_start3A_668 = tpu.memref_slice %arg5[%select_n3A, %add3A_514, %dma_start3A_667] : memref<4x256x2048xf32, #tpu.memory_space<hbm>> -> memref<1x8x2048xf32, #tpu.memory_space<hbm>>
    %dma_start3A_669 = arith.constant 0 : i32
    %dma_start3A_670 = tpu.memref_slice %arg5[%select_n3A, %add3A_514, %dma_start3A_669] : memref<4x256x2048xf32, #tpu.memory_space<hbm>> -> memref<1x8x2048xf32, #tpu.memory_space<hbm>>
    tpu.enqueue_dma source(%arg6 : memref<1x8x2048xf32, #tpu.memory_space<vmem>>) target(%dma_start3A_670 : memref<1x8x2048xf32, #tpu.memory_space<hbm>>) target_semaphore(%arg9 : memref<!tpu.dma_semaphore, #tpu.memory_space<semaphore_mem>>)
    %dma_wait3A_671 = arith.constant 0 : i32
    %dma_wait3A_672 = tpu.memref_slice %arg5[%select_n3A, %add3A_514, %dma_wait3A_671] : memref<4x256x2048xf32, #tpu.memory_space<hbm>> -> memref<1x8x2048xf32, #tpu.memory_space<hbm>>
    %dma_wait3A_673 = arith.constant 0 : i32
    %dma_wait3A_674 = tpu.memref_slice %arg5[%select_n3A, %add3A_514, %dma_wait3A_673] : memref<4x256x2048xf32, #tpu.memory_space<hbm>> -> memref<1x8x2048xf32, #tpu.memory_space<hbm>>
    tpu.wait_dma2 semaphore(%arg9 : memref<!tpu.dma_semaphore, #tpu.memory_space<semaphore_mem>>) src(%arg6 : memref<1x8x2048xf32, #tpu.memory_space<vmem>>) dst(%dma_wait3A_674 : memref<1x8x2048xf32, #tpu.memory_space<hbm>>)
    return
  }
}

module attributes {stable_mosaic.version = 14 : i64} {
  func.func @_tc_body(%arg0: i32, %arg1: i32, %arg2: memref<1x256x2048xf32, #tpu.memory_space<vmem>>, %arg3: memref<1x1024x2048xf32, #tpu.memory_space<vmem>>, %arg4: memref<1x1024x2048xf32, #tpu.memory_space<vmem>>) attributes {dimension_semantics = [#tpu.dimension_semantics<arbitrary>, #tpu.dimension_semantics<arbitrary>], iteration_bounds = array<i64: 4, 4>, scalar_prefetch = 0 : i64, scratch_operands = 0 : i64, tpu.core_type = #tpu.core_type<tc>, window_params = [{transform_indices = @transform_0, window_bounds = array<i64: 1, 256, 2048>}, {transform_indices = @transform_1, window_bounds = array<i64: 1, 1024, 2048>}, {transform_indices = @transform_2, window_bounds = array<i64: 1, 1024, 2048>}]} {
    %eq3A = arith.constant 0 : i32
    %eq3A_0 = arith.cmpi eq, %arg1, %eq3A : i32
    %convert_element_type3A = arith.extui %eq3A_0 : i1 to i32
    %cond3A = arith.constant 0 : i32
    %cond3A_1 = arith.cmpi ne, %convert_element_type3A, %cond3A : i32
    scf.if %cond3A_1 {
      %get3A = arith.constant 0 : index
      %get3A_6 = arith.constant 0 : index
      %get3A_7 = arith.constant 0 : index
      %get3A_8 = vector.load %arg2[%get3A, %get3A_6, %get3A_7] : memref<1x256x2048xf32, #tpu.memory_space<vmem>>, vector<1x256x2048xf32>
      %get3A_9 = vector.shape_cast %get3A_8 : vector<1x256x2048xf32> to vector<256x2048xf32>
      %swap3A = arith.constant 0 : index
      %swap3A_10 = arith.constant 0 : index
      %swap3A_11 = arith.constant 0 : index
      %swap3A_12 = vector.load %arg4[%swap3A, %swap3A_10, %swap3A_11] : memref<1x1024x2048xf32, #tpu.memory_space<vmem>>, vector<1x256x2048xf32>
      %swap3A_13 = vector.shape_cast %swap3A_12 : vector<1x256x2048xf32> to vector<256x2048xf32>
      %swap3A_14 = vector.shape_cast %get3A_9 : vector<256x2048xf32> to vector<1x256x2048xf32>
      tpu.vector_store %arg4[%swap3A, %swap3A_10, %swap3A_11], %swap3A_14 {strides = array<i32>} : memref<1x1024x2048xf32, #tpu.memory_space<vmem>>, vector<1x256x2048xf32>,
      %get3A_15 = arith.constant 0 : index
      %get3A_16 = arith.constant 256 : index
      %get3A_17 = arith.constant 0 : index
      %get3A_18 = vector.load %arg3[%get3A_15, %get3A_16, %get3A_17] : memref<1x1024x2048xf32, #tpu.memory_space<vmem>>, vector<1x768x2048xf32>
      %get3A_19 = vector.shape_cast %get3A_18 : vector<1x768x2048xf32> to vector<768x2048xf32>
      %swap3A_20 = arith.constant 0 : index
      %swap3A_21 = arith.constant 256 : index
      %swap3A_22 = arith.constant 0 : index
      %swap3A_23 = vector.load %arg4[%swap3A_20, %swap3A_21, %swap3A_22] : memref<1x1024x2048xf32, #tpu.memory_space<vmem>>, vector<1x768x2048xf32>
      %swap3A_24 = vector.shape_cast %swap3A_23 : vector<1x768x2048xf32> to vector<768x2048xf32>
      %swap3A_25 = vector.shape_cast %get3A_19 : vector<768x2048xf32> to vector<1x768x2048xf32>
      tpu.vector_store %arg4[%swap3A_20, %swap3A_21, %swap3A_22], %swap3A_25 {strides = array<i32>} : memref<1x1024x2048xf32, #tpu.memory_space<vmem>>, vector<1x768x2048xf32>,
    } else {
    }
    %ne3A = arith.constant 0 : i32
    %ne3A_2 = arith.cmpi ne, %arg1, %ne3A : i32
    %convert_element_type3A_3 = arith.extui %ne3A_2 : i1 to i32
    %cond3A_4 = arith.constant 0 : i32
    %cond3A_5 = arith.cmpi ne, %convert_element_type3A_3, %cond3A_4 : i32
    scf.if %cond3A_5 {
      %get3A = arith.constant 0 : index
      %get3A_6 = arith.constant 0 : index
      %get3A_7 = arith.constant 0 : index
      %get3A_8 = vector.load %arg3[%get3A, %get3A_6, %get3A_7] : memref<1x1024x2048xf32, #tpu.memory_space<vmem>>, vector<1x1024x2048xf32>
      %swap3A = arith.constant 0 : index
      %swap3A_9 = arith.constant 0 : index
      %swap3A_10 = arith.constant 0 : index
      %swap3A_11 = vector.load %arg4[%swap3A, %swap3A_9, %swap3A_10] : memref<1x1024x2048xf32, #tpu.memory_space<vmem>>, vector<1x1024x2048xf32>
      tpu.vector_store %arg4[%swap3A, %swap3A_9, %swap3A_10], %get3A_8 {strides = array<i32>} : memref<1x1024x2048xf32, #tpu.memory_space<vmem>>, vector<1x1024x2048xf32>,
    } else {
    }
    return
  }
  func.func @transform_0(%arg0: i32, %arg1: i32) -> (i32, i32, i32) {
    %c0_i32 = arith.constant 0 : i32
    %c0_i32_0 = arith.constant 0 : i32
    %c0_i32_1 = arith.constant 0 : i32
    return %arg0, %c0_i32, %c0_i32_0 : i32, i32, i32
  }
  func.func @transform_1(%arg0: i32, %arg1: i32) -> (i32, i32, i32) {
    %c0_i32 = arith.constant 0 : i32
    %c0_i32_0 = arith.constant 0 : i32
    return %arg0, %arg1, %c0_i32 : i32, i32, i32
  }
  func.func @transform_2(%arg0: i32, %arg1: i32) -> (i32, i32, i32) {
    %c0_i32 = arith.constant 0 : i32
    %c0_i32_0 = arith.constant 0 : i32
    return %arg0, %arg1, %c0_i32 : i32, i32, i32
  }
}

</mosaic_0001>

<sc_bundles>
// kernel: kernel.4.cloned.1.call-start
scs
__scs_entry_jumppad:
0x0: {  	(pc) =	sbr.rel $0x88, $3  }
0x1: {  	(tag) =	ssettag $0x0;
	lr =	simm.s32 $0x1  }
0x2: {  	[smem:$0x3F9E] =	sst lr;
	_ =	strace $0xD0000000  }
0x3: {  	_ = 	snop  }
0x4: {  	_ = 	snop  }
0x5: {  	_ = 	snop  }
0x6: {  	_ = 	snop  }
0x7: {  	_ = 	snop  }
__scs_overlays_trampoline_lowered:
0x8: {  	[smem:$0x3FAD] =	sst s0  }
0x9: {  	[smem:$0x3FAE] =	sst s1  }
0xa: {  	[smem:$0x3FAF] =	sst s2  }
0xb: {  	[smem:$0x3FB0] =	sst s3  }
0xc: {  	[smem:$0x3FB1] =	sst s4  }
0xd: {  	[smem:$0x3FB2] =	sst s5  }
0xe: {  	[smem:$0x3FB3] =	sst s6  }
0xf: {  	[smem:$0x3FB4] =	sst s7  }
0x10: {  	[smem:$0x3FB5] =	sst s8  }
0x11: {  	[smem:$0x3FB6] =	sst s9;
	s0 =	simm.s32 @!p0 $0x0  }
0x12: {  	s1 =	sld [smem:$0x3F9C];
	s0 =	simm.s32 @p0 $0x1  }
0x13: {  	[smem:$0x3FB7] =	sst s0;
	s0 =	simm.s32 @!p1 $0x0  }
0x14: {  	s2 =	sld [smem:$0x3F9B];
	s0 =	simm.s32 @p1 $0x1  }
0x15: {  	[smem:$0x3FB8] =	sst s0;
	s0 =	simm.s32 @!p2 $0x0  }
0x16: {  	s3 =	sld [smem:$0x3FDB];
	s0 =	simm.s32 @p2 $0x1  }
0x17: {  	s4 =	simm.s32 $0x1BF5;
	[smem:$0x3FBA] =	sst s0  }
0x18: {  	s0 =	sld [smem:$0x3F9D];
	_ =	swait.ge [sflag:s4], $0x0  }
0x19: {  	s7 =	sld [smem:$0x3F9E]  }
0x1a: {  	s8 =	sadd.s32 $0xFFFFE003, lr  }
0x1b: {  	s9 =	sadd.s32 $0xFFFFFEF7, lr;
	s5 =	simm.s32 $0xFFFFFFFF;
	p2 =	slt.u32 s8, $0xFFFFF086  }
0x1c: {  	p1 =	slt.u32 s9, $0xF7A;
	s5 =	simm.s32 @!p2 $0x0  }
0x1d: {  	s5 =	simm.s32 @p1 $0x1;
	p0 =	seq.s32 s7, s2  }
0x1e: {  	s7 =	smul.u32 @!p0 $0xF7A, s2;
	p2 =	seq.s32 @!p0 s5, $0x0  }
0x1f: {  	s9 =	smul.u32 $0xF7A, s1;
	s8 =	simm.s32 @!p0 $0x1BF5;
	p2 =	por !p2, p0  }
0x20: {  	[sflag:s8] =	ssyncset.s32 @!p0 $0xFFFFF086;
	s6 =	sadd.s32 @!p0 s3, s7;
	s7 =	simm.s32 @!p0 $0x108  }
0x21: {  	s3 =	sadd.s32 s3, s9;
	s6 =	sadd.s32 @!p0 $0x88, s6;
	s7 =	simm.s32 @p2 $0x1082  }
0x22: {  	[simem:s7], [sflag:s8] =	dma.local @!p0 [hbm:s6], $0xF7A  }
0x23: {  	s9 =	sor.u32 $0xD0000000, s2;
	s6 =	simm.s32 $0x108;
	_ =	swait.ge @!p0 [sflag:s8], $0x0  }
0x24: {  	s3 =	sadd.s32 $0x88, s3;
	s6 =	simm.s32 @!p1 $0x1082;
	[sflag:s4] =	ssyncset.s32 $0xFFFFF086  }
0x25: {  	[simem:s6], [sflag:s4] =	dma.local [hbm:s3], $0xF7A  }
0x26: {  	[smem:$0x3F9E] =	sst s1;
	(tag) =	ssettag s2;
	_ =	strace s9  }
0x27: {  	s1 =	sld [smem:$0x3FAE]  }
0x28: {  	s2 =	sld [smem:$0x3FAF]  }
0x29: {  	s4 =	sld [smem:$0x3FB1]  }
0x2a: {  	p0 =	seq.s32 s5, $0x0;
	s5 =	sld [smem:$0x3FB2]  }
0x2b: {  	s6 =	sld [smem:$0x3FB3]  }
0x2c: {  	s7 =	sld [smem:$0x3FB4]  }
0x2d: {  	s3 =	simm.s32 $0x108;
	s8 =	sld [smem:$0x3FB5]  }
0x2e: {  	s3 =	simm.s32 @!p0 $0x1082;
	s9 =	sld [smem:$0x3FB6]  }
0x2f: {  	lr =	sadd.s32 s0, s3;
	s0 =	sld [smem:$0x3FAD]  }
0x30: {  	s3 =	sld [smem:$0x3FB0]  }
0x31: {  	[smem:$0x3FB9] =	sst s10  }
0x32: {  	s10 =	sld [smem:$0x3FB7];
	_ =	sdelay $0x3  }
0x33: {  	p0 =	seq.s32 s10, $0x1;
	s10 =	sld [smem:$0x3FB9];
	_ =	sdelay $0x3  }
0x34: {  	[smem:$0x3FB9] =	sst s10  }
0x35: {  	s10 =	sld [smem:$0x3FB8];
	_ =	sdelay $0x3  }
0x36: {  	p1 =	seq.s32 s10, $0x1;
	s10 =	sld [smem:$0x3FB9];
	_ =	sdelay $0x3  }
0x37: {  	[smem:$0x3FB9] =	sst s10  }
0x38: {  	s10 =	sld [smem:$0x3FBA]  }
0x39: {  	_ = 	snop;
	(pc) =	sbr.ind lr, $3  }
0x3a: {  	_ = 	snop  }
0x3b: {  	_ = 	snop  }
0x3c: {  	p2 =	seq.s32 s10, $0x1;
	s10 =	sld [smem:$0x3FB9]  }
0x3d: {  	_ =	shalt  }
0x3e: {  	_ =	shalt  }
0x3f: {  	_ =	shalt  }
0x40: {  	_ =	shalt  }
0x41: {  	_ =	shalt  }
0x42: {  	_ =	shalt  }
0x43: {  	_ =	shalt  }
0x44: {  	_ =	shalt  }
0x45: {  	_ =	shalt  }
0x46: {  	_ =	shalt  }
0x47: {  	_ =	shalt  }
0x48: {  	_ =	shalt  }
0x49: {  	_ =	shalt  }
0x4a: {  	_ =	shalt  }
0x4b: {  	_ =	shalt  }
0x4c: {  	_ =	shalt  }
0x4d: {  	_ =	shalt  }
0x4e: {  	_ =	shalt  }
0x4f: {  	_ =	shalt  }
0x50: {  	_ =	shalt  }
0x51: {  	_ =	shalt  }
0x52: {  	_ =	shalt  }
0x53: {  	_ =	shalt  }
0x54: {  	_ =	shalt  }
0x55: {  	_ =	shalt  }
0x56: {  	_ =	shalt  }
0x57: {  	_ =	shalt  }
0x58: {  	_ =	shalt  }
0x59: {  	_ =	shalt  }
0x5a: {  	_ =	shalt  }
0x5b: {  	_ =	shalt  }
0x5c: {  	_ =	shalt  }
0x5d: {  	_ =	shalt  }
0x5e: {  	_ =	shalt  }
0x5f: {  	_ =	shalt  }
0x60: {  	_ =	shalt  }
0x61: {  	_ =	shalt  }
0x62: {  	_ =	shalt  }
0x63: {  	_ =	shalt  }
0x64: {  	_ =	shalt  }
0x65: {  	_ =	shalt  }
0x66: {  	_ =	shalt  }
0x67: {  	_ =	shalt  }
0x68: {  	_ =	shalt  }
0x69: {  	_ =	shalt  }
0x6a: {  	_ =	shalt  }
0x6b: {  	_ =	shalt  }
0x6c: {  	_ =	shalt  }
0x6d: {  	_ =	shalt  }
0x6e: {  	_ =	shalt  }
0x6f: {  	_ =	shalt  }
0x70: {  	_ =	shalt  }
0x71: {  	_ =	shalt  }
0x72: {  	_ =	shalt  }
0x73: {  	_ =	shalt  }
0x74: {  	_ =	shalt  }
0x75: {  	_ =	shalt  }
0x76: {  	_ =	shalt  }
0x77: {  	_ =	shalt  }
0x78: {  	_ =	shalt  }
0x79: {  	_ =	shalt  }
0x7a: {  	_ =	shalt  }
0x7b: {  	_ =	shalt  }
0x7c: {  	_ =	shalt  }
0x7d: {  	_ =	shalt  }
0x7e: {  	_ =	shalt  }
0x7f: {  	_ =	shalt  }
0x80: {  	_ =	shalt  }
0x81: {  	_ =	shalt  }
0x82: {  	_ =	shalt  }
0x83: {  	_ =	shalt  }
0x84: {  	_ =	shalt  }
0x85: {  	_ =	shalt  }
0x86: {  	_ =	shalt  }
0x87: {  	_ =	shalt  }
.Lfunc_end0:
.L_simem_size_0:
called_computation_lowered:
.L_overlay_start_0:
0x88: {  	s2 =	sld [smem:$0x3FD9]  }
0x89: {  	s3 =	sld [smem:$0x3FFE];
	_ =	sdelay $0x1  }
0x8a: {  	s1 =	srdreg.scid  }
0x8b: {  	s0 =	sand.u32 $0x1, s1  }
0x8c: {  	s18 =	sshll.u32 s0, $0xA;
	s2 =	sadd.s32 s3, s2  }
0x8d: {  	s2 =	sadd.s32 s2, s18  }
0x8e: {  	[smem:$0x3FC5] =	sst s2  }
0x8f: {  	_ = 	snop  }
0x90: {  	s2 =	sld [smem:$0x3FC9]  }
0x91: {  	s19 =	sld [smem:$0x3FC8]  }
0x92: {  	s4 =	sld [smem:$0x3FC7]  }
0x93: {  	s5 =	sld [smem:$0x3FD0];
	(tm) =	ssettm $0x1  }
0x94: {  	s6 =	sld [smem:$0x3FFB];
	_ =	sdelay $0x3  }
0x95: {  	_ =	strace s6  }
0x96: {  	s6 =	sld [smem:$0x3FFC];
	_ =	sdelay $0x3  }
0x97: {  	_ =	strace s6  }
0x98: {  	s6 =	sld [smem:$0x3FFD];
	_ =	sdelay $0x3  }
0x99: {  	_ =	strace s6  }
0x9a: {  	_ =	strace $0x8FFFFFFF  }
0x9b: {  	s20 =	sld [smem:$0x3FDB];
	_ =	sdelay $0x1  }
0x9c: {  	s7 =	simm.s32 $_scs_section_size  }
0x9d: {  	s8 =	simm.s32 $_size__tile_overlayer_lowered;
	s9 =	simm.s32 $_tile_overlayer_lowered  }
0x9e: {  	s23 =	simm.s32 $0x1BFF;
	s22 =	sshll.u32 s9, $0x1;
	s6 =	sadd.s32 s7, s20  }
0x9f: {  	s10 =	simm.s32 $0x0;
	s21 =	sshll.u32 s8, $0x1;
	s8 =	sadd.s32 s22, s6  }
0xa0: {  	[timem:s10], [sflag:s23] =	dma.local [hbm:s8], s21  }
0xa1: {  	_ =	swait.ge [sflag:s23], s21  }
0xa2: {  	s7 =	ssub.s32 $0x0, s21;
	[sflag:s23] =	ssyncset.done $0x0  }
0xa3: {  	[sflag:s23] =	ssyncadd.s32 s7;
	_ =	sdelay $0x1  }
0xa4: {  	s24 =	simm.s32 $0x1B8B  }
0xa5: {  	_ =	swait.ge [sflag:s24], $0x1  }
0xa6: {  	[sflag:s24] =	ssyncset.done $0x0  }
0xa7: {  	s25 =	simm.s32 $0x1B8E;
	[sflag:s24] =	ssyncadd.s32 $0xFFFFFFFF  }
0xa8: {  	s26 =	simm.s32 $execute0_lowered;
	[smem:$0x3FD2] =	sst s25  }
0xa9: {  	s7 =	sshll.u32 s26, $0x1;
	_ =	strace $0x80000046;
	[dreg:$0x1] =	wrdreg $0xFFFFFFFF  }
0xaa: {  	s28 =	simm.s32 $_size_execute0_lowered;
	s6 =	sadd.s32 s6, s7;
	[dreg:$0x0] =	wrdreg $0x0  }
0xab: {  	s7 =	sshll.u32 s28, $0x1;
	[dreg:$0x2] =	wrdreg s6  }
0xac: {  	[dreg:$0x3] =	wrdreg s7  }
0xad: {  	[dreg:$0x4] =	wrdreg $0xC0  }
0xae: {  	_ =	task [dreg:s10], $0x5FFFF  }
0xaf: {  	[dreg:$0x1] =	wrdreg $0xFFFFFFFF  }
0xb0: {  	[dreg:$0x0] =	wrdreg $0x60  }
0xb1: {  	[dreg:$0x2] =	wrdreg s2  }
0xb2: {  	[dreg:$0x3] =	wrdreg s19  }
0xb3: {  	[dreg:$0x4] =	wrdreg s4  }
0xb4: {  	[dreg:$0x5] =	wrdreg s5  }
0xb5: {  	[dreg:$0x6] =	wrdreg $0x9  }
0xb6: {  	_ =	task.clear_ibuf [dreg:s10], $0x7FFFF;
	_ =	strace $0x90000046  }
0xb7: {  	s29 =	simm.s32 $0x9;
	_ =	strace $0x80000048  }
0xb8: {  	_ =	swait.ge [sflag:s29], $0x1  }
0xb9: {  	[sflag:s29] =	ssyncadd.s32 $0xFFFFFFFF  }
0xba: {  	_ =	strace $0x90000048  }
0xbb: {  	_ =	sfence  }
0xbc: {  	s30 =	sld [smem:$0x0];
	_ =	sdelay $0x2  }
0xbd: {  	s31 =	sshll.u32 s1, $0xD;
	s1 =	sshrl.u32 s1, $0x2  }
0xbe: {  	s3 =	sand.u32 $0x4000, s31;
	s1 =	sadd.s32 s1, s30  }
0xbf: {  	s0 =	sor.u32 s3, s0;
	s1 =	sshll.u32 s1, $0x11  }
0xc0: {  	s0 =	sor.u32 s1, s0  }
0xc1: {  	s0 =	sadd.s32 $0x8F2B, s0  }
0xc2: {  	[sflag:s0] =	ssyncadd.remote.s32 $0x1  }
0xc3: {  	_ =	sfence.sel $0xFFFF  }
0xc4: {  	[dreg:$0x0] =	wrdreg $0xFFFFFFFF;
	(pc) =	sbr.abs _section_cstart, $3  }
0xc5: {  	[dreg:$0x1] =	wrdreg $0xFFFFFFFF  }
0xc6: {  	_ =	task.clear_ibuf [dreg:s10], $0x2FFFF;
	_ =	strace $0x9FFFFFFF  }
0xc7: {  	(tm) =	ssettm $0x7FFFFFFF  }
tec
execute0_lowered:
.L_overlay_start_1:
0x0: {  	(tag) =	ssettag $0x1  }
0x1: {  	s13 =	rddreg [dreg:$0x0]  }
0x2: {  	s2 =	rddreg [dreg:$0x1]  }
0x3: {  	s14 =	rddreg [dreg:$0x2]  }
0x4: {  	s15 =	rddreg [dreg:$0x3];
	s1 =	stileid.u32  }
0x5: {  	s0 =	rddreg [dreg:$0x4];
	s4 =	srdreg.scid;
	s3 =	simm.s32 $0x0  }
0x6: {  	s5 =	sshll.u32 s1, $0x1;
	s4 =	sand.u32 $0x1, s4;
	s6 =	sshrl.u32 s1, $0x2  }
0x7: {  	[smem:$0x7FF] =	sst s3;
	s5 =	sand.u32 $0x6, s5;
	s17 =	sshll.u32 s6, $0x17  }
0x8: {  	_ =	strace $0x80000047;
	s5 =	sor.u32 s4, s5;
	s4 =	ssub.s32 $0x2, s4  }
0x9: {  	s18 =	sshll.u32 s6, $0x13;
	s7 =	sshll.u32 s5, $0x10;
	s8 =	sshrl.u32 s4, $0x1  }
0xa: {  	s11 =	sshll.u32 s5, $0x5;
	s5 =	sshll.u32 s5, $0xD;
	s9 =	sor.u32 s17, s7  }
0xb: {  	s16 =	ssub.s32 s4, s8;
	s22 =	sor.u32 $0x8, s11;
	s6 =	sor.u32 s18, s7  }
0xc: {  	s5 =	sadd.s32 s14, s5;
	s12 =	sor.u32 $0x10, s11;
	s26 =	sor.u32 $0x18, s11  }
0xd: {  	v0 =	vmov s11;
	s21 =	sshrl.u32 s9, $0x3;
	s23 =	sshll.u32 s22, $0xB;
	s6 =	sshrl.u32 s6, $0x3  }
0xe: {  	v32 =	vimm.s32 $0x0;
	v1 =	vor.u32 $0x1, v0;
	s19 =	sshll.u32 s12, $0xB;
	s10 =	sshll.u32 s22, $0x8;
	s28 =	sshll.u32 s12, $0x8  }
0xf: {  	v2 =	vor.u32 $0x2, v0;
	v3 =	vor.u32 $0x3, v0;
	v4 =	vor.u32 $0x4, v0;
	s30 =	sshll.u32 s26, $0xB;
	s16 =	smax.u32 s16, $0x1;
	s4 =	sadd.s32 s13, s21  }
0x10: {  	v5 =	vor.u32 $0x5, v0;
	v6 =	vor.u32 $0x6, v0;
	v7 =	vor.u32 $0x7, v0;
	s24 =	sor.u32 s17, s23;
	s6 =	sadd.s32 s15, s6;
	s9 =	sor.u32 s18, s23  }
0x11: {  	v8 =	vmov s22;
	v14 =	vmov s12;
	v23 =	vmov s26;
	s20 =	sor.u32 s17, s19;
	s8 =	sadd.s32 s14, s10;
	s19 =	sor.u32 s18, s19  }
0x12: {  	v9 =	vor.u32 $0x1, v8;
	v10 =	vor.u32 $0x2, v8;
	v11 =	vor.u32 $0x3, v8;
	s11 =	sadd.s32 s14, s28;
	s17 =	sor.u32 s17, s30;
	s18 =	sor.u32 s18, s30  }
0x13: {  	v12 =	vor.u32 $0x4, v8;
	v13 =	vor.u32 $0x5, v8;
	v15 =	vor.u32 $0x6, v8;
	s7 =	sshrl.u32 s24, $0x3;
	s9 =	sshrl.u32 s9, $0x3;
	s25 =	sshrl.u32 s20, $0x3  }
0x14: {  	v16 =	vor.u32 $0x7, v8;
	v17 =	vor.u32 $0x1, v14;
	v18 =	vor.u32 $0x2, v14;
	s29 =	sshrl.u32 s19, $0x3;
	s17 =	sshrl.u32 s17, $0x3;
	s20 =	sshll.u32 s26, $0x8  }
0x15: {  	v19 =	vor.u32 $0x3, v14;
	v20 =	vor.u32 $0x4, v14;
	v21 =	vor.u32 $0x5, v14;
	s31 =	sshrl.u32 s18, $0x3;
	s18 =	simm.s32 $0x1;
	s19 =	simm.s32 $0x4000  }
0x16: {  	v22 =	vor.u32 $0x6, v14;
	v24 =	vor.u32 $0x7, v14;
	v25 =	vor.u32 $0x1, v23;
	s7 =	sadd.s32 s13, s7;
	s9 =	sadd.s32 s15, s9;
	s10 =	sadd.s32 s13, s25  }
0x17: {  	v26 =	vor.u32 $0x2, v23;
	v27 =	vor.u32 $0x3, v23;
	v28 =	vor.u32 $0x4, v23;
	s12 =	sadd.s32 s15, s29;
	s13 =	sadd.s32 s13, s17;
	s14 =	sadd.s32 s14, s20  }
0x18: {  	v29 =	vor.u32 $0x5, v23;
	v30 =	vor.u32 $0x6, v23;
	v31 =	vor.u32 $0x7, v23;
	s15 =	sadd.s32 s15, s31;
	s17 =	simm.s32 $0x8000;
	s20 =	simm.s32 $0x0  }
.LBB2_1:
0x19: {  	[tilespmem:s17], [sflag:$0x1] =	stream.linear.gather [hbm4b:s2+s3], $0x100, $0x38;
	[tilespmem:$0x8100] =	vst v63  }
0x1a: {  	_ =	swait.ge [sflag:s18], $0x100  }
0x1b: {  	[sflag:s18] =	ssyncset.done $0x0  }
0x1c: {  	[sflag:s18] =	ssyncadd.s32 $0xFFFFFF00  }
0x1d: {  	[tilespmem:s3], [sflag:$0x1] =	stream.linear.gather [hbm4b:s4+s3], $0x4000, $0x38;
	[tilespmem:$0x8100] =	vst v63  }
0x1e: {  	_ =	swait.ge [sflag:s18], $0x4000  }
0x1f: {  	[sflag:s18] =	ssyncset.done $0x0  }
0x20: {  	[sflag:s18] =	ssyncadd.s32 $0xFFFFC000  }
0x21: {  	[tilespmem:s19], [sflag:$0x1] =	stream.linear.gather [hbm4b:s5+s3], $0x4000, $0x38;
	[tilespmem:$0x8100] =	vst v63  }
0x22: {  	_ =	swait.ge [sflag:s18], $0x4000  }
0x23: {  	[sflag:s18] =	ssyncset.done $0x0  }
0x24: {  	[sflag:s18] =	ssyncadd.s32 $0xFFFFC000  }
0x25: {  	s21 =	sand.u32 $0x70, s3;
	s22 =	sand.u32 $0x3C00, s3;
	v33 =	vld.idx.msk [tilespmem:v0+s17+$0x0], $0xffff  }
0x26: {  	s21 =	sor.u32 s21, s22  }
0x27: {  	v35 =	vld [tilespmem:s21+$0x4000];
	_ =	sdelay $0x1  }
0x28: {  	v34 =	vld [tilespmem:s21+$0x0]  }
0x29: {  	vm0 =	veq.s32 v33, $0x1  }
0x2a: {  	v33 =	vsel vm0, $0x3F800000, v32  }
0x2b: {  	s23 =	simm.s32 $0x10;
	s22 =	simm.s32 $0x80;
	v35 =	vmul.f32 v33, v35  }
0x2c: {  	s24 =	sand.u32 $0x70, s23;
	s23 =	simm.s32 $0x20;
	s25 =	sand.u32 $0x3C00, s22  }
.LBB2_2:
0x2d: {  	p0 =	sne.s32 s23, $0x7F0;
	s24 =	sor.u32 s24, s25;
	v34 =	vadd.f32 v35, v34  }
0x2e: {  	v35 =	vld [tilespmem:s24+$0x4000]  }
0x2f: {  	[tilespmem:s21+$0x0] =	vst v34;
	s21 =	smov.u32 s24  }
.Ltmp0:
0x30: {  	v34 =	vld [tilespmem:s21+$0x0];
	(pc) =	sbr.rel @p0 .LBB2_2-.Ltmp0, $3  }
0x31: {  	_ =	sdelay $0x1  }
0x32: {  	s22 =	sadd.s32 $0x80, s22;
	v35 =	vmul.f32 v33, v35  }
0x33: {  	s25 =	sand.u32 $0x3C00, s22;
	s24 =	sand.u32 $0x70, s23;
	s23 =	sadd.s32 $0x10, s23  }
0x34: {  	s22 =	sor.u32 s24, s25;
	v34 =	vadd.f32 v35, v34  }
0x35: {  	v62 =	vld [tilespmem:s22+$0x4000]  }
0x36: {  	[tilespmem:s21+$0x0] =	vst v34  }
0x37: {  	v34 =	vld [tilespmem:s22+$0x0];
	_ =	sdelay $0x2  }
0x38: {  	v33 =	vmul.f32 v33, v62;
	_ =	sdelay $0x1  }
0x39: {  	v33 =	vadd.f32 v33, v34;
	_ =	sdelay $0x1  }
0x3a: {  	s30 =	simm.s32 $0x0;
	[tilespmem:s22+$0x0] =	vst v33  }
0x3b: {  	s31 =	sand.u32 $0x70, s30;
	s21 =	sand.u32 $0x3C00, s30;
	v33 =	vld.idx.msk [tilespmem:v1+s17+$0x0], $0xffff  }
0x3c: {  	s21 =	sor.u32 s21, s31  }
0x3d: {  	v63 =	vld [tilespmem:s21+$0x4080];
	_ =	sdelay $0x1  }
0x3e: {  	v34 =	vld [tilespmem:s21+$0x80]  }
0x3f: {  	vm0 =	veq.s32 v33, $0x1  }
0x40: {  	v33 =	vsel vm0, $0x3F800000, v32  }
0x41: {  	s23 =	simm.s32 $0x10;
	s22 =	simm.s32 $0x80;
	v35 =	vmul.f32 v33, v63  }
0x42: {  	s24 =	sand.u32 $0x70, s23;
	s23 =	simm.s32 $0x20;
	s25 =	sand.u32 $0x3C00, s22  }
.LBB2_4:
0x43: {  	p0 =	sne.s32 s23, $0x7F0;
	s24 =	sor.u32 s25, s24;
	v34 =	vadd.f32 v35, v34  }
0x44: {  	v35 =	vld [tilespmem:s24+$0x4080]  }
0x45: {  	[tilespmem:s21+$0x80] =	vst v34;
	s21 =	smov.u32 s24  }
.Ltmp1:
0x46: {  	v34 =	vld [tilespmem:s21+$0x80];
	(pc) =	sbr.rel @p0 .LBB2_4-.Ltmp1, $3  }
0x47: {  	_ =	sdelay $0x1  }
0x48: {  	s22 =	sadd.s32 $0x80, s22;
	v35 =	vmul.f32 v33, v35  }
0x49: {  	s25 =	sand.u32 $0x3C00, s22;
	s24 =	sand.u32 $0x70, s23;
	s23 =	sadd.s32 $0x10, s23  }
0x4a: {  	s22 =	sor.u32 s25, s24;
	v34 =	vadd.f32 v35, v34  }
0x4b: {  	v62 =	vld [tilespmem:s22+$0x4080]  }
0x4c: {  	[tilespmem:s21+$0x80] =	vst v34  }
0x4d: {  	v34 =	vld [tilespmem:s22+$0x80];
	_ =	sdelay $0x2  }
0x4e: {  	v33 =	vmul.f32 v33, v62;
	_ =	sdelay $0x1  }
0x4f: {  	v33 =	vadd.f32 v33, v34;
	_ =	sdelay $0x1  }
0x50: {  	s30 =	simm.s32 $0x0;
	[tilespmem:s22+$0x80] =	vst v33  }
0x51: {  	s31 =	sand.u32 $0x70, s30;
	s21 =	sand.u32 $0x3C00, s30;
	v33 =	vld.idx.msk [tilespmem:v2+s17+$0x0], $0xffff  }
0x52: {  	s21 =	sor.u32 s21, s31  }
0x53: {  	v63 =	vld [tilespmem:s21+$0x4100];
	_ =	sdelay $0x1  }
0x54: {  	v34 =	vld [tilespmem:s21+$0x100]  }
0x55: {  	vm0 =	veq.s32 v33, $0x1  }
0x56: {  	v33 =	vsel vm0, $0x3F800000, v32  }
0x57: {  	s23 =	simm.s32 $0x10;
	s22 =	simm.s32 $0x80;
	v35 =	vmul.f32 v33, v63  }
0x58: {  	s24 =	sand.u32 $0x70, s23;
	s23 =	simm.s32 $0x20;
	s25 =	sand.u32 $0x3C00, s22  }
.LBB2_6:
0x59: {  	p0 =	sne.s32 s23, $0x7F0;
	s24 =	sor.u32 s25, s24;
	v34 =	vadd.f32 v35, v34  }
0x5a: {  	v35 =	vld [tilespmem:s24+$0x4100]  }
0x5b: {  	[tilespmem:s21+$0x100] =	vst v34;
	s21 =	smov.u32 s24  }
.Ltmp2:
0x5c: {  	v34 =	vld [tilespmem:s21+$0x100];
	(pc) =	sbr.rel @p0 .LBB2_6-.Ltmp2, $3  }
0x5d: {  	_ =	sdelay $0x1  }
0x5e: {  	s22 =	sadd.s32 $0x80, s22;
	v35 =	vmul.f32 v33, v35  }
0x5f: {  	s25 =	sand.u32 $0x3C00, s22;
	s24 =	sand.u32 $0x70, s23;
	s23 =	sadd.s32 $0x10, s23  }
0x60: {  	s22 =	sor.u32 s25, s24;
	v34 =	vadd.f32 v35, v34  }
0x61: {  	v62 =	vld [tilespmem:s22+$0x4100]  }
0x62: {  	[tilespmem:s21+$0x100] =	vst v34  }
0x63: {  	v34 =	vld [tilespmem:s22+$0x100];
	_ =	sdelay $0x2  }
0x64: {  	v33 =	vmul.f32 v33, v62;
	_ =	sdelay $0x1  }
0x65: {  	v33 =	vadd.f32 v33, v34;
	_ =	sdelay $0x1  }
0x66: {  	s30 =	simm.s32 $0x0;
	[tilespmem:s22+$0x100] =	vst v33  }
0x67: {  	s31 =	sand.u32 $0x70, s30;
	s21 =	sand.u32 $0x3C00, s30;
	v33 =	vld.idx.msk [tilespmem:v3+s17+$0x0], $0xffff  }
0x68: {  	s21 =	sor.u32 s21, s31  }
0x69: {  	v63 =	vld [tilespmem:s21+$0x4180];
	_ =	sdelay $0x1  }
0x6a: {  	v34 =	vld [tilespmem:s21+$0x180]  }
0x6b: {  	vm0 =	veq.s32 v33, $0x1  }
0x6c: {  	v33 =	vsel vm0, $0x3F800000, v32  }
0x6d: {  	s23 =	simm.s32 $0x10;
	s22 =	simm.s32 $0x80;
	v35 =	vmul.f32 v33, v63  }
0x6e: {  	s24 =	sand.u32 $0x70, s23;
	s23 =	simm.s32 $0x20;
	s25 =	sand.u32 $0x3C00, s22  }
.LBB2_8:
0x6f: {  	p0 =	sne.s32 s23, $0x7F0;
	s24 =	sor.u32 s25, s24;
	v34 =	vadd.f32 v35, v34  }
0x70: {  	v35 =	vld [tilespmem:s24+$0x4180]  }
0x71: {  	[tilespmem:s21+$0x180] =	vst v34;
	s21 =	smov.u32 s24  }
.Ltmp3:
0x72: {  	v34 =	vld [tilespmem:s21+$0x180];
	(pc) =	sbr.rel @p0 .LBB2_8-.Ltmp3, $3  }
0x73: {  	_ =	sdelay $0x1  }
0x74: {  	s22 =	sadd.s32 $0x80, s22;
	v35 =	vmul.f32 v33, v35  }
0x75: {  	s25 =	sand.u32 $0x3C00, s22;
	s24 =	sand.u32 $0x70, s23;
	s23 =	sadd.s32 $0x10, s23  }
0x76: {  	s22 =	sor.u32 s25, s24;
	v34 =	vadd.f32 v35, v34  }
0x77: {  	v62 =	vld [tilespmem:s22+$0x4180]  }
0x78: {  	[tilespmem:s21+$0x180] =	vst v34  }
0x79: {  	v34 =	vld [tilespmem:s22+$0x180];
	_ =	sdelay $0x2  }
0x7a: {  	v33 =	vmul.f32 v33, v62;
	_ =	sdelay $0x1  }
0x7b: {  	v33 =	vadd.f32 v33, v34;
	_ =	sdelay $0x1  }
0x7c: {  	s30 =	simm.s32 $0x0;
	[tilespmem:s22+$0x180] =	vst v33  }
0x7d: {  	s31 =	sand.u32 $0x70, s30;
	s21 =	sand.u32 $0x3C00, s30;
	v33 =	vld.idx.msk [tilespmem:v4+s17+$0x0], $0xffff  }
0x7e: {  	s21 =	sor.u32 s21, s31  }
0x7f: {  	v63 =	vld [tilespmem:s21+$0x4200];
	_ =	sdelay $0x1  }
0x80: {  	v34 =	vld [tilespmem:s21+$0x200]  }
0x81: {  	vm0 =	veq.s32 v33, $0x1  }
0x82: {  	v33 =	vsel vm0, $0x3F800000, v32  }
0x83: {  	s23 =	simm.s32 $0x10;
	s22 =	simm.s32 $0x80;
	v35 =	vmul.f32 v33, v63  }
0x84: {  	s24 =	sand.u32 $0x70, s23;
	s23 =	simm.s32 $0x20;
	s25 =	sand.u32 $0x3C00, s22  }
.LBB2_10:
0x85: {  	p0 =	sne.s32 s23, $0x7F0;
	s24 =	sor.u32 s25, s24;
	v34 =	vadd.f32 v35, v34  }
0x86: {  	v35 =	vld [tilespmem:s24+$0x4200]  }
0x87: {  	[tilespmem:s21+$0x200] =	vst v34;
	s21 =	smov.u32 s24  }
.Ltmp4:
0x88: {  	v34 =	vld [tilespmem:s21+$0x200];
	(pc) =	sbr.rel @p0 .LBB2_10-.Ltmp4, $3  }
0x89: {  	_ =	sdelay $0x1  }
0x8a: {  	s22 =	sadd.s32 $0x80, s22;
	v35 =	vmul.f32 v33, v35  }
0x8b: {  	s25 =	sand.u32 $0x3C00, s22;
	s24 =	sand.u32 $0x70, s23;
	s23 =	sadd.s32 $0x10, s23  }
0x8c: {  	s22 =	sor.u32 s25, s24;
	v34 =	vadd.f32 v35, v34  }
0x8d: {  	v62 =	vld [tilespmem:s22+$0x4200]  }
0x8e: {  	[tilespmem:s21+$0x200] =	vst v34  }
0x8f: {  	v34 =	vld [tilespmem:s22+$0x200];
	_ =	sdelay $0x2  }
0x90: {  	v33 =	vmul.f32 v33, v62;
	_ =	sdelay $0x1  }
0x91: {  	v33 =	vadd.f32 v33, v34;
	_ =	sdelay $0x1  }
0x92: {  	s30 =	simm.s32 $0x0;
	[tilespmem:s22+$0x200] =	vst v33  }
0x93: {  	s31 =	sand.u32 $0x70, s30;
	s21 =	sand.u32 $0x3C00, s30;
	v33 =	vld.idx.msk [tilespmem:v5+s17+$0x0], $0xffff  }
0x94: {  	s21 =	sor.u32 s21, s31  }
0x95: {  	v63 =	vld [tilespmem:s21+$0x4280];
	_ =	sdelay $0x1  }
0x96: {  	v34 =	vld [tilespmem:s21+$0x280]  }
0x97: {  	vm0 =	veq.s32 v33, $0x1  }
0x98: {  	v33 =	vsel vm0, $0x3F800000, v32  }
0x99: {  	s23 =	simm.s32 $0x10;
	s22 =	simm.s32 $0x80;
	v35 =	vmul.f32 v33, v63  }
0x9a: {  	s24 =	sand.u32 $0x70, s23;
	s23 =	simm.s32 $0x20;
	s25 =	sand.u32 $0x3C00, s22  }
.LBB2_12:
0x9b: {  	p0 =	sne.s32 s23, $0x7F0;
	s24 =	sor.u32 s25, s24;
	v34 =	vadd.f32 v35, v34  }
0x9c: {  	v35 =	vld [tilespmem:s24+$0x4280]  }
0x9d: {  	[tilespmem:s21+$0x280] =	vst v34;
	s21 =	smov.u32 s24  }
.Ltmp5:
0x9e: {  	v34 =	vld [tilespmem:s21+$0x280];
	(pc) =	sbr.rel @p0 .LBB2_12-.Ltmp5, $3  }
0x9f: {  	_ =	sdelay $0x1  }
0xa0: {  	s22 =	sadd.s32 $0x80, s22;
	v35 =	vmul.f32 v33, v35  }
0xa1: {  	s25 =	sand.u32 $0x3C00, s22;
	s24 =	sand.u32 $0x70, s23;
	s23 =	sadd.s32 $0x10, s23  }
0xa2: {  	s22 =	sor.u32 s25, s24;
	v34 =	vadd.f32 v35, v34  }
0xa3: {  	v62 =	vld [tilespmem:s22+$0x4280]  }
0xa4: {  	[tilespmem:s21+$0x280] =	vst v34  }
0xa5: {  	v34 =	vld [tilespmem:s22+$0x280];
	_ =	sdelay $0x2  }
0xa6: {  	v33 =	vmul.f32 v33, v62;
	_ =	sdelay $0x1  }
0xa7: {  	v33 =	vadd.f32 v33, v34;
	_ =	sdelay $0x1  }
0xa8: {  	s30 =	simm.s32 $0x0;
	[tilespmem:s22+$0x280] =	vst v33  }
0xa9: {  	s31 =	sand.u32 $0x70, s30;
	s21 =	sand.u32 $0x3C00, s30;
	v33 =	vld.idx.msk [tilespmem:v6+s17+$0x0], $0xffff  }
0xaa: {  	s21 =	sor.u32 s21, s31  }
0xab: {  	v63 =	vld [tilespmem:s21+$0x4300];
	_ =	sdelay $0x1  }
0xac: {  	v34 =	vld [tilespmem:s21+$0x300]  }
0xad: {  	vm0 =	veq.s32 v33, $0x1  }
0xae: {  	v33 =	vsel vm0, $0x3F800000, v32  }
0xaf: {  	s23 =	simm.s32 $0x10;
	s22 =	simm.s32 $0x80;
	v35 =	vmul.f32 v33, v63  }
0xb0: {  	s24 =	sand.u32 $0x70, s23;
	s23 =	simm.s32 $0x20;
	s25 =	sand.u32 $0x3C00, s22  }
.LBB2_14:
0xb1: {  	p0 =	sne.s32 s23, $0x7F0;
	s24 =	sor.u32 s25, s24;
	v34 =	vadd.f32 v35, v34  }
0xb2: {  	v35 =	vld [tilespmem:s24+$0x4300]  }
0xb3: {  	[tilespmem:s21+$0x300] =	vst v34;
	s21 =	smov.u32 s24  }
.Ltmp6:
0xb4: {  	v34 =	vld [tilespmem:s21+$0x300];
	(pc) =	sbr.rel @p0 .LBB2_14-.Ltmp6, $3  }
0xb5: {  	_ =	sdelay $0x1  }
0xb6: {  	s22 =	sadd.s32 $0x80, s22;
	v35 =	vmul.f32 v33, v35  }
0xb7: {  	s25 =	sand.u32 $0x3C00, s22;
	s24 =	sand.u32 $0x70, s23;
	s23 =	sadd.s32 $0x10, s23  }
0xb8: {  	s22 =	sor.u32 s25, s24;
	v34 =	vadd.f32 v35, v34  }
0xb9: {  	v63 =	vld [tilespmem:s22+$0x4300]  }
0xba: {  	[tilespmem:s21+$0x300] =	vst v34  }
0xbb: {  	v34 =	vld [tilespmem:s22+$0x300];
	_ =	sdelay $0x2  }
0xbc: {  	v33 =	vmul.f32 v33, v63;
	_ =	sdelay $0x1  }
0xbd: {  	v33 =	vadd.f32 v33, v34;
	_ =	sdelay $0x1  }
0xbe: {  	[tilespmem:s22+$0x300] =	vst v33;
	s22 =	simm.s32 $0x0  }
0xbf: {  	s31 =	sand.u32 $0x7, s22  }
0xc0: {  	s21 =	sshll.u32 s31, $0x4  }
0xc1: {  	v33 =	vld.idx.msk [tilespmem:v7+s17+$0x0], $0xffff;
	s21 =	sadd.s32 $0x0, s21  }
0xc2: {  	s21 =	sor.u32 $0x380, s21  }
0xc3: {  	v35 =	vld [tilespmem:s21+$0x4000];
	_ =	sdelay $0x1  }
0xc4: {  	v34 =	vld [tilespmem:s21+$0x0]  }
0xc5: {  	s23 =	simm.s32 $0x1;
	vm0 =	veq.s32 v33, $0x1  }
0xc6: {  	s24 =	simm.s32 $0x20;
	s25 =	sand.u32 $0x7, s23;
	v33 =	vsel vm0, $0x3F800000, v32  }
.LBB2_16:
0xc7: {  	p0 =	sne.s32 s24, $0x7F0;
	s25 =	sshll.u32 s25, $0x4;
	v35 =	vmul.f32 v33, v35;
	s22 =	sadd.s32 $0x80, s22  }
0xc8: {  	s25 =	sadd.s32 s25, s22  }
0xc9: {  	s25 =	sor.u32 $0x380, s25;
	v34 =	vadd.f32 v35, v34  }
.Ltmp7:
0xca: {  	v35 =	vld [tilespmem:s25+$0x4000];
	(pc) =	sbr.rel @p0 .LBB2_16-.Ltmp7, $4  }
0xcb: {  	[tilespmem:s21+$0x0] =	vst v34;
	s21 =	smov.u32 s25  }
0xcc: {  	v34 =	vld [tilespmem:s21+$0x0]  }
0xcd: {  	s23 =	sadd.s32 $0x1, s23  }
0xce: {  	s24 =	sadd.s32 $0x10, s24;
	s25 =	sand.u32 $0x7, s23  }
0xcf: {  	s23 =	sshll.u32 s25, $0x4;
	v35 =	vmul.f32 v33, v35;
	s22 =	sadd.s32 $0x80, s22  }
0xd0: {  	s22 =	sadd.s32 s23, s22  }
0xd1: {  	s22 =	sor.u32 $0x380, s22;
	v34 =	vadd.f32 v35, v34  }
0xd2: {  	v60 =	vld [tilespmem:s22+$0x4000]  }
0xd3: {  	[tilespmem:s21+$0x0] =	vst v34  }
0xd4: {  	v34 =	vld [tilespmem:s22+$0x0];
	_ =	sdelay $0x2  }
0xd5: {  	v61 =	vmul.f32 v33, v60;
	_ =	sdelay $0x1  }
0xd6: {  	v33 =	vadd.f32 v61, v34;
	_ =	sdelay $0x1  }
0xd7: {  	s29 =	simm.s32 $0x0;
	[tilespmem:s22+$0x0] =	vst v33  }
0xd8: {  	[hbm4b:s6+s29] =	stream.linear.scatter [tilespmem:s29], [sflag:$0x1], $0x4000, $0x38;
	[tilespmem:$0x8100] =	vst v63  }
0xd9: {  	_ =	swait.ge [sflag:s18], $0x4000  }
0xda: {  	[sflag:s18] =	ssyncset.done $0x0  }
0xdb: {  	[sflag:s18] =	ssyncadd.s32 $0xFFFFC000  }
0xdc: {  	[tilespmem:s29], [sflag:$0x1] =	stream.linear.gather [hbm4b:s7+s29], $0x4000, $0x38;
	[tilespmem:$0x8100] =	vst v63  }
0xdd: {  	_ =	swait.ge [sflag:s18], $0x4000  }
0xde: {  	[sflag:s18] =	ssyncset.done $0x0  }
0xdf: {  	[sflag:s18] =	ssyncadd.s32 $0xFFFFC000  }
0xe0: {  	[tilespmem:s19], [sflag:$0x1] =	stream.linear.gather [hbm4b:s8+s29], $0x4000, $0x38;
	[tilespmem:$0x8100] =	vst v63  }
0xe1: {  	_ =	swait.ge [sflag:s18], $0x4000  }
0xe2: {  	[sflag:s18] =	ssyncset.done $0x0  }
0xe3: {  	[sflag:s18] =	ssyncadd.s32 $0xFFFFC000  }
0xe4: {  	s30 =	sand.u32 $0x70, s29;
	s21 =	sand.u32 $0x3C00, s29;
	v62 =	vld.idx.msk [tilespmem:v8+s17+$0x0], $0xffff  }
0xe5: {  	s21 =	sor.u32 s30, s21  }
0xe6: {  	v63 =	vld [tilespmem:s21+$0x4000];
	_ =	sdelay $0x1  }
0xe7: {  	v34 =	vld [tilespmem:s21+$0x0]  }
0xe8: {  	vm0 =	veq.s32 v62, $0x1  }
0xe9: {  	v33 =	vsel vm0, $0x3F800000, v32  }
0xea: {  	s31 =	simm.s32 $0x10;
	s22 =	simm.s32 $0x80;
	v35 =	vmul.f32 v33, v63  }
0xeb: {  	s24 =	sand.u32 $0x70, s31;
	s23 =	simm.s32 $0x20;
	s25 =	sand.u32 $0x3C00, s22  }
.LBB2_18:
0xec: {  	p0 =	sne.s32 s23, $0x7F0;
	s24 =	sor.u32 s24, s25;
	v34 =	vadd.f32 v35, v34  }
0xed: {  	v35 =	vld [tilespmem:s24+$0x4000]  }
0xee: {  	[tilespmem:s21+$0x0] =	vst v34;
	s21 =	smov.u32 s24  }
.Ltmp8:
0xef: {  	v34 =	vld [tilespmem:s21+$0x0];
	(pc) =	sbr.rel @p0 .LBB2_18-.Ltmp8, $3  }
0xf0: {  	_ =	sdelay $0x1  }
0xf1: {  	s22 =	sadd.s32 $0x80, s22;
	v35 =	vmul.f32 v33, v35  }
0xf2: {  	s25 =	sand.u32 $0x3C00, s22;
	s24 =	sand.u32 $0x70, s23;
	s23 =	sadd.s32 $0x10, s23  }
0xf3: {  	s22 =	sor.u32 s24, s25;
	v34 =	vadd.f32 v35, v34  }
0xf4: {  	v62 =	vld [tilespmem:s22+$0x4000]  }
0xf5: {  	[tilespmem:s21+$0x0] =	vst v34  }
0xf6: {  	v34 =	vld [tilespmem:s22+$0x0];
	_ =	sdelay $0x2  }
0xf7: {  	v33 =	vmul.f32 v33, v62;
	_ =	sdelay $0x1  }
0xf8: {  	v33 =	vadd.f32 v33, v34;
	_ =	sdelay $0x1  }
0xf9: {  	s30 =	simm.s32 $0x0;
	[tilespmem:s22+$0x0] =	vst v33  }
0xfa: {  	s31 =	sand.u32 $0x70, s30;
	s21 =	sand.u32 $0x3C00, s30;
	v33 =	vld.idx.msk [tilespmem:v9+s17+$0x0], $0xffff  }
0xfb: {  	s21 =	sor.u32 s21, s31  }
0xfc: {  	v63 =	vld [tilespmem:s21+$0x4080];
	_ =	sdelay $0x1  }
0xfd: {  	v34 =	vld [tilespmem:s21+$0x80]  }
0xfe: {  	vm0 =	veq.s32 v33, $0x1  }
0xff: {  	v33 =	vsel vm0, $0x3F800000, v32  }
0x100: {  	s23 =	simm.s32 $0x10;
	s22 =	simm.s32 $0x80;
	v35 =	vmul.f32 v33, v63  }
0x101: {  	s24 =	sand.u32 $0x70, s23;
	s23 =	simm.s32 $0x20;
	s25 =	sand.u32 $0x3C00, s22  }
.LBB2_20:
0x102: {  	p0 =	sne.s32 s23, $0x7F0;
	s24 =	sor.u32 s25, s24;
	v34 =	vadd.f32 v35, v34  }
0x103: {  	v35 =	vld [tilespmem:s24+$0x4080]  }
0x104: {  	[tilespmem:s21+$0x80] =	vst v34;
	s21 =	smov.u32 s24  }
.Ltmp9:
0x105: {  	v34 =	vld [tilespmem:s21+$0x80];
	(pc) =	sbr.rel @p0 .LBB2_20-.Ltmp9, $3  }
0x106: {  	_ =	sdelay $0x1  }
0x107: {  	s22 =	sadd.s32 $0x80, s22;
	v35 =	vmul.f32 v33, v35  }
0x108: {  	s25 =	sand.u32 $0x3C00, s22;
	s24 =	sand.u32 $0x70, s23;
	s23 =	sadd.s32 $0x10, s23  }
0x109: {  	s22 =	sor.u32 s25, s24;
	v34 =	vadd.f32 v35, v34  }
0x10a: {  	v62 =	vld [tilespmem:s22+$0x4080]  }
0x10b: {  	[tilespmem:s21+$0x80] =	vst v34  }
0x10c: {  	v34 =	vld [tilespmem:s22+$0x80];
	_ =	sdelay $0x2  }
0x10d: {  	v33 =	vmul.f32 v33, v62;
	_ =	sdelay $0x1  }
0x10e: {  	v33 =	vadd.f32 v33, v34;
	_ =	sdelay $0x1  }
0x10f: {  	s30 =	simm.s32 $0x0;
	[tilespmem:s22+$0x80] =	vst v33  }
0x110: {  	s31 =	sand.u32 $0x70, s30;
	s21 =	sand.u32 $0x3C00, s30;
	v33 =	vld.idx.msk [tilespmem:v10+s17+$0x0], $0xffff  }
0x111: {  	s21 =	sor.u32 s21, s31  }
0x112: {  	v63 =	vld [tilespmem:s21+$0x4100];
	_ =	sdelay $0x1  }
0x113: {  	v34 =	vld [tilespmem:s21+$0x100]  }
0x114: {  	vm0 =	veq.s32 v33, $0x1  }
0x115: {  	v33 =	vsel vm0, $0x3F800000, v32  }
0x116: {  	s23 =	simm.s32 $0x10;
	s22 =	simm.s32 $0x80;
	v35 =	vmul.f32 v33, v63  }
0x117: {  	s24 =	sand.u32 $0x70, s23;
	s23 =	simm.s32 $0x20;
	s25 =	sand.u32 $0x3C00, s22  }
.LBB2_22:
0x118: {  	p0 =	sne.s32 s23, $0x7F0;
	s24 =	sor.u32 s25, s24;
	v34 =	vadd.f32 v35, v34  }
0x119: {  	v35 =	vld [tilespmem:s24+$0x4100]  }
0x11a: {  	[tilespmem:s21+$0x100] =	vst v34;
	s21 =	smov.u32 s24  }
.Ltmp10:
0x11b: {  	v34 =	vld [tilespmem:s21+$0x100];
	(pc) =	sbr.rel @p0 .LBB2_22-.Ltmp10, $3  }
0x11c: {  	_ =	sdelay $0x1  }
0x11d: {  	s22 =	sadd.s32 $0x80, s22;
	v35 =	vmul.f32 v33, v35  }
0x11e: {  	s25 =	sand.u32 $0x3C00, s22;
	s24 =	sand.u32 $0x70, s23;
	s23 =	sadd.s32 $0x10, s23  }
0x11f: {  	s22 =	sor.u32 s25, s24;
	v34 =	vadd.f32 v35, v34  }
0x120: {  	v62 =	vld [tilespmem:s22+$0x4100]  }
0x121: {  	[tilespmem:s21+$0x100] =	vst v34  }
0x122: {  	v34 =	vld [tilespmem:s22+$0x100];
	_ =	sdelay $0x2  }
0x123: {  	v33 =	vmul.f32 v33, v62;
	_ =	sdelay $0x1  }
0x124: {  	v33 =	vadd.f32 v33, v34;
	_ =	sdelay $0x1  }
0x125: {  	s30 =	simm.s32 $0x0;
	[tilespmem:s22+$0x100] =	vst v33  }
0x126: {  	s31 =	sand.u32 $0x70, s30;
	s21 =	sand.u32 $0x3C00, s30;
	v33 =	vld.idx.msk [tilespmem:v11+s17+$0x0], $0xffff  }
0x127: {  	s21 =	sor.u32 s21, s31  }
0x128: {  	v63 =	vld [tilespmem:s21+$0x4180];
	_ =	sdelay $0x1  }
0x129: {  	v34 =	vld [tilespmem:s21+$0x180]  }
0x12a: {  	vm0 =	veq.s32 v33, $0x1  }
0x12b: {  	v33 =	vsel vm0, $0x3F800000, v32  }
0x12c: {  	s23 =	simm.s32 $0x10;
	s22 =	simm.s32 $0x80;
	v35 =	vmul.f32 v33, v63  }
0x12d: {  	s24 =	sand.u32 $0x70, s23;
	s23 =	simm.s32 $0x20;
	s25 =	sand.u32 $0x3C00, s22  }
.LBB2_24:
0x12e: {  	p0 =	sne.s32 s23, $0x7F0;
	s24 =	sor.u32 s25, s24;
	v34 =	vadd.f32 v35, v34  }
0x12f: {  	v35 =	vld [tilespmem:s24+$0x4180]  }
0x130: {  	[tilespmem:s21+$0x180] =	vst v34;
	s21 =	smov.u32 s24  }
.Ltmp11:
0x131: {  	v34 =	vld [tilespmem:s21+$0x180];
	(pc) =	sbr.rel @p0 .LBB2_24-.Ltmp11, $3  }
0x132: {  	_ =	sdelay $0x1  }
0x133: {  	s22 =	sadd.s32 $0x80, s22;
	v35 =	vmul.f32 v33, v35  }
0x134: {  	s25 =	sand.u32 $0x3C00, s22;
	s24 =	sand.u32 $0x70, s23;
	s23 =	sadd.s32 $0x10, s23  }
0x135: {  	s22 =	sor.u32 s25, s24;
	v34 =	vadd.f32 v35, v34  }
0x136: {  	v62 =	vld [tilespmem:s22+$0x4180]  }
0x137: {  	[tilespmem:s21+$0x180] =	vst v34  }
0x138: {  	v34 =	vld [tilespmem:s22+$0x180];
	_ =	sdelay $0x2  }
0x139: {  	v33 =	vmul.f32 v33, v62;
	_ =	sdelay $0x1  }
0x13a: {  	v33 =	vadd.f32 v33, v34;
	_ =	sdelay $0x1  }
0x13b: {  	s30 =	simm.s32 $0x0;
	[tilespmem:s22+$0x180] =	vst v33  }
0x13c: {  	s31 =	sand.u32 $0x70, s30;
	s21 =	sand.u32 $0x3C00, s30;
	v33 =	vld.idx.msk [tilespmem:v12+s17+$0x0], $0xffff  }
0x13d: {  	s21 =	sor.u32 s21, s31  }
0x13e: {  	v63 =	vld [tilespmem:s21+$0x4200];
	_ =	sdelay $0x1  }
0x13f: {  	v34 =	vld [tilespmem:s21+$0x200]  }
0x140: {  	vm0 =	veq.s32 v33, $0x1  }
0x141: {  	v33 =	vsel vm0, $0x3F800000, v32  }
0x142: {  	s23 =	simm.s32 $0x10;
	s22 =	simm.s32 $0x80;
	v35 =	vmul.f32 v33, v63  }
0x143: {  	s24 =	sand.u32 $0x70, s23;
	s23 =	simm.s32 $0x20;
	s25 =	sand.u32 $0x3C00, s22  }
.LBB2_26:
0x144: {  	p0 =	sne.s32 s23, $0x7F0;
	s24 =	sor.u32 s25, s24;
	v34 =	vadd.f32 v35, v34  }
0x145: {  	v35 =	vld [tilespmem:s24+$0x4200]  }
0x146: {  	[tilespmem:s21+$0x200] =	vst v34;
	s21 =	smov.u32 s24  }
.Ltmp12:
0x147: {  	v34 =	vld [tilespmem:s21+$0x200];
	(pc) =	sbr.rel @p0 .LBB2_26-.Ltmp12, $3  }
0x148: {  	_ =	sdelay $0x1  }
0x149: {  	s22 =	sadd.s32 $0x80, s22;
	v35 =	vmul.f32 v33, v35  }
0x14a: {  	s25 =	sand.u32 $0x3C00, s22;
	s24 =	sand.u32 $0x70, s23;
	s23 =	sadd.s32 $0x10, s23  }
0x14b: {  	s22 =	sor.u32 s25, s24;
	v34 =	vadd.f32 v35, v34  }
0x14c: {  	v62 =	vld [tilespmem:s22+$0x4200]  }
0x14d: {  	[tilespmem:s21+$0x200] =	vst v34  }
0x14e: {  	v34 =	vld [tilespmem:s22+$0x200];
	_ =	sdelay $0x2  }
0x14f: {  	v33 =	vmul.f32 v33, v62;
	_ =	sdelay $0x1  }
0x150: {  	v33 =	vadd.f32 v33, v34;
	_ =	sdelay $0x1  }
0x151: {  	s30 =	simm.s32 $0x0;
	[tilespmem:s22+$0x200] =	vst v33  }
0x152: {  	s31 =	sand.u32 $0x70, s30;
	s21 =	sand.u32 $0x3C00, s30;
	v33 =	vld.idx.msk [tilespmem:v13+s17+$0x0], $0xffff  }
0x153: {  	s21 =	sor.u32 s21, s31  }
0x154: {  	v63 =	vld [tilespmem:s21+$0x4280];
	_ =	sdelay $0x1  }
0x155: {  	v34 =	vld [tilespmem:s21+$0x280]  }
0x156: {  	vm0 =	veq.s32 v33, $0x1  }
0x157: {  	v33 =	vsel vm0, $0x3F800000, v32  }
0x158: {  	s23 =	simm.s32 $0x10;
	s22 =	simm.s32 $0x80;
	v35 =	vmul.f32 v33, v63  }
0x159: {  	s24 =	sand.u32 $0x70, s23;
	s23 =	simm.s32 $0x20;
	s25 =	sand.u32 $0x3C00, s22  }
.LBB2_28:
0x15a: {  	p0 =	sne.s32 s23, $0x7F0;
	s24 =	sor.u32 s25, s24;
	v34 =	vadd.f32 v35, v34  }
0x15b: {  	v35 =	vld [tilespmem:s24+$0x4280]  }
0x15c: {  	[tilespmem:s21+$0x280] =	vst v34;
	s21 =	smov.u32 s24  }
.Ltmp13:
0x15d: {  	v34 =	vld [tilespmem:s21+$0x280];
	(pc) =	sbr.rel @p0 .LBB2_28-.Ltmp13, $3  }
0x15e: {  	_ =	sdelay $0x1  }
0x15f: {  	s22 =	sadd.s32 $0x80, s22;
	v35 =	vmul.f32 v33, v35  }
0x160: {  	s25 =	sand.u32 $0x3C00, s22;
	s24 =	sand.u32 $0x70, s23;
	s23 =	sadd.s32 $0x10, s23  }
0x161: {  	s22 =	sor.u32 s25, s24;
	v34 =	vadd.f32 v35, v34  }
0x162: {  	v62 =	vld [tilespmem:s22+$0x4280]  }
0x163: {  	[tilespmem:s21+$0x280] =	vst v34  }
0x164: {  	v34 =	vld [tilespmem:s22+$0x280];
	_ =	sdelay $0x2  }
0x165: {  	v33 =	vmul.f32 v33, v62;
	_ =	sdelay $0x1  }
0x166: {  	v33 =	vadd.f32 v33, v34;
	_ =	sdelay $0x1  }
0x167: {  	s30 =	simm.s32 $0x0;
	[tilespmem:s22+$0x280] =	vst v33  }
0x168: {  	s31 =	sand.u32 $0x70, s30;
	s21 =	sand.u32 $0x3C00, s30;
	v33 =	vld.idx.msk [tilespmem:v15+s17+$0x0], $0xffff  }
0x169: {  	s21 =	sor.u32 s21, s31  }
0x16a: {  	v63 =	vld [tilespmem:s21+$0x4300];
	_ =	sdelay $0x1  }
0x16b: {  	v34 =	vld [tilespmem:s21+$0x300]  }
0x16c: {  	vm0 =	veq.s32 v33, $0x1  }
0x16d: {  	v33 =	vsel vm0, $0x3F800000, v32  }
0x16e: {  	s23 =	simm.s32 $0x10;
	s22 =	simm.s32 $0x80;
	v35 =	vmul.f32 v33, v63  }
0x16f: {  	s24 =	sand.u32 $0x70, s23;
	s23 =	simm.s32 $0x20;
	s25 =	sand.u32 $0x3C00, s22  }
.LBB2_30:
0x170: {  	p0 =	sne.s32 s23, $0x7F0;
	s24 =	sor.u32 s25, s24;
	v34 =	vadd.f32 v35, v34  }
0x171: {  	v35 =	vld [tilespmem:s24+$0x4300]  }
0x172: {  	[tilespmem:s21+$0x300] =	vst v34;
	s21 =	smov.u32 s24  }
.Ltmp14:
0x173: {  	v34 =	vld [tilespmem:s21+$0x300];
	(pc) =	sbr.rel @p0 .LBB2_30-.Ltmp14, $3  }
0x174: {  	_ =	sdelay $0x1  }
0x175: {  	s22 =	sadd.s32 $0x80, s22;
	v35 =	vmul.f32 v33, v35  }
0x176: {  	s25 =	sand.u32 $0x3C00, s22;
	s24 =	sand.u32 $0x70, s23;
	s23 =	sadd.s32 $0x10, s23  }
0x177: {  	s22 =	sor.u32 s25, s24;
	v34 =	vadd.f32 v35, v34  }
0x178: {  	v63 =	vld [tilespmem:s22+$0x4300]  }
0x179: {  	[tilespmem:s21+$0x300] =	vst v34  }
0x17a: {  	v34 =	vld [tilespmem:s22+$0x300];
	_ =	sdelay $0x2  }
0x17b: {  	v33 =	vmul.f32 v33, v63;
	_ =	sdelay $0x1  }
0x17c: {  	v33 =	vadd.f32 v33, v34;
	_ =	sdelay $0x1  }
0x17d: {  	[tilespmem:s22+$0x300] =	vst v33;
	s22 =	simm.s32 $0x0  }
0x17e: {  	s31 =	sand.u32 $0x7, s22  }
0x17f: {  	s21 =	sshll.u32 s31, $0x4  }
0x180: {  	v33 =	vld.idx.msk [tilespmem:v16+s17+$0x0], $0xffff;
	s21 =	sadd.s32 $0x0, s21  }
0x181: {  	s21 =	sor.u32 $0x380, s21  }
0x182: {  	v35 =	vld [tilespmem:s21+$0x4000];
	_ =	sdelay $0x1  }
0x183: {  	v34 =	vld [tilespmem:s21+$0x0]  }
0x184: {  	s23 =	simm.s32 $0x1;
	vm0 =	veq.s32 v33, $0x1  }
0x185: {  	s24 =	simm.s32 $0x20;
	s25 =	sand.u32 $0x7, s23;
	v33 =	vsel vm0, $0x3F800000, v32  }
.LBB2_32:
0x186: {  	p0 =	sne.s32 s24, $0x7F0;
	s25 =	sshll.u32 s25, $0x4;
	v35 =	vmul.f32 v33, v35;
	s22 =	sadd.s32 $0x80, s22  }
0x187: {  	s25 =	sadd.s32 s25, s22  }
0x188: {  	s25 =	sor.u32 $0x380, s25;
	v34 =	vadd.f32 v35, v34  }
.Ltmp15:
0x189: {  	v35 =	vld [tilespmem:s25+$0x4000];
	(pc) =	sbr.rel @p0 .LBB2_32-.Ltmp15, $4  }
0x18a: {  	[tilespmem:s21+$0x0] =	vst v34;
	s21 =	smov.u32 s25  }
0x18b: {  	v34 =	vld [tilespmem:s21+$0x0]  }
0x18c: {  	s23 =	sadd.s32 $0x1, s23  }
0x18d: {  	s24 =	sadd.s32 $0x10, s24;
	s25 =	sand.u32 $0x7, s23  }
0x18e: {  	s23 =	sshll.u32 s25, $0x4;
	v35 =	vmul.f32 v33, v35;
	s22 =	sadd.s32 $0x80, s22  }
0x18f: {  	s22 =	sadd.s32 s23, s22  }
0x190: {  	s22 =	sor.u32 $0x380, s22;
	v34 =	vadd.f32 v35, v34  }
0x191: {  	v60 =	vld [tilespmem:s22+$0x4000]  }
0x192: {  	[tilespmem:s21+$0x0] =	vst v34  }
0x193: {  	v34 =	vld [tilespmem:s22+$0x0];
	_ =	sdelay $0x2  }
0x194: {  	v61 =	vmul.f32 v33, v60;
	_ =	sdelay $0x1  }
0x195: {  	v33 =	vadd.f32 v61, v34;
	_ =	sdelay $0x1  }
0x196: {  	s29 =	simm.s32 $0x0;
	[tilespmem:s22+$0x0] =	vst v33  }
0x197: {  	[hbm4b:s9+s29] =	stream.linear.scatter [tilespmem:s29], [sflag:$0x1], $0x4000, $0x38;
	[tilespmem:$0x8100] =	vst v63  }
0x198: {  	_ =	swait.ge [sflag:s18], $0x4000  }
0x199: {  	[sflag:s18] =	ssyncset.done $0x0  }
0x19a: {  	[sflag:s18] =	ssyncadd.s32 $0xFFFFC000  }
0x19b: {  	[tilespmem:s29], [sflag:$0x1] =	stream.linear.gather [hbm4b:s10+s29], $0x4000, $0x38;
	[tilespmem:$0x8100] =	vst v63  }
0x19c: {  	_ =	swait.ge [sflag:s18], $0x4000  }
0x19d: {  	[sflag:s18] =	ssyncset.done $0x0  }
0x19e: {  	[sflag:s18] =	ssyncadd.s32 $0xFFFFC000  }
0x19f: {  	[tilespmem:s19], [sflag:$0x1] =	stream.linear.gather [hbm4b:s11+s29], $0x4000, $0x38;
	[tilespmem:$0x8100] =	vst v63  }
0x1a0: {  	_ =	swait.ge [sflag:s18], $0x4000  }
0x1a1: {  	[sflag:s18] =	ssyncset.done $0x0  }
0x1a2: {  	[sflag:s18] =	ssyncadd.s32 $0xFFFFC000  }
0x1a3: {  	s30 =	sand.u32 $0x70, s29;
	s21 =	sand.u32 $0x3C00, s29;
	v62 =	vld.idx.msk [tilespmem:v14+s17+$0x0], $0xffff  }
0x1a4: {  	s21 =	sor.u32 s30, s21  }
0x1a5: {  	v63 =	vld [tilespmem:s21+$0x4000];
	_ =	sdelay $0x1  }
0x1a6: {  	v34 =	vld [tilespmem:s21+$0x0]  }
0x1a7: {  	vm0 =	veq.s32 v62, $0x1  }
0x1a8: {  	v33 =	vsel vm0, $0x3F800000, v32  }
0x1a9: {  	s31 =	simm.s32 $0x10;
	s22 =	simm.s32 $0x80;
	v35 =	vmul.f32 v33, v63  }
0x1aa: {  	s24 =	sand.u32 $0x70, s31;
	s23 =	simm.s32 $0x20;
	s25 =	sand.u32 $0x3C00, s22  }
.LBB2_34:
0x1ab: {  	p0 =	sne.s32 s23, $0x7F0;
	s24 =	sor.u32 s24, s25;
	v34 =	vadd.f32 v35, v34  }
0x1ac: {  	v35 =	vld [tilespmem:s24+$0x4000]  }
0x1ad: {  	[tilespmem:s21+$0x0] =	vst v34;
	s21 =	smov.u32 s24  }
.Ltmp16:
0x1ae: {  	v34 =	vld [tilespmem:s21+$0x0];
	(pc) =	sbr.rel @p0 .LBB2_34-.Ltmp16, $3  }
0x1af: {  	_ =	sdelay $0x1  }
0x1b0: {  	s22 =	sadd.s32 $0x80, s22;
	v35 =	vmul.f32 v33, v35  }
0x1b1: {  	s25 =	sand.u32 $0x3C00, s22;
	s24 =	sand.u32 $0x70, s23;
	s23 =	sadd.s32 $0x10, s23  }
0x1b2: {  	s22 =	sor.u32 s24, s25;
	v34 =	vadd.f32 v35, v34  }
0x1b3: {  	v62 =	vld [tilespmem:s22+$0x4000]  }
0x1b4: {  	[tilespmem:s21+$0x0] =	vst v34  }
0x1b5: {  	v34 =	vld [tilespmem:s22+$0x0];
	_ =	sdelay $0x2  }
0x1b6: {  	v33 =	vmul.f32 v33, v62;
	_ =	sdelay $0x1  }
0x1b7: {  	v33 =	vadd.f32 v33, v34;
	_ =	sdelay $0x1  }
0x1b8: {  	s30 =	simm.s32 $0x0;
	[tilespmem:s22+$0x0] =	vst v33  }
0x1b9: {  	s31 =	sand.u32 $0x70, s30;
	s21 =	sand.u32 $0x3C00, s30;
	v33 =	vld.idx.msk [tilespmem:v17+s17+$0x0], $0xffff  }
0x1ba: {  	s21 =	sor.u32 s21, s31  }
0x1bb: {  	v63 =	vld [tilespmem:s21+$0x4080];
	_ =	sdelay $0x1  }
0x1bc: {  	v34 =	vld [tilespmem:s21+$0x80]  }
0x1bd: {  	vm0 =	veq.s32 v33, $0x1  }
0x1be: {  	v33 =	vsel vm0, $0x3F800000, v32  }
0x1bf: {  	s23 =	simm.s32 $0x10;
	s22 =	simm.s32 $0x80;
	v35 =	vmul.f32 v33, v63  }
0x1c0: {  	s24 =	sand.u32 $0x70, s23;
	s23 =	simm.s32 $0x20;
	s25 =	sand.u32 $0x3C00, s22  }
.LBB2_36:
0x1c1: {  	p0 =	sne.s32 s23, $0x7F0;
	s24 =	sor.u32 s25, s24;
	v34 =	vadd.f32 v35, v34  }
0x1c2: {  	v35 =	vld [tilespmem:s24+$0x4080]  }
0x1c3: {  	[tilespmem:s21+$0x80] =	vst v34;
	s21 =	smov.u32 s24  }
.Ltmp17:
0x1c4: {  	v34 =	vld [tilespmem:s21+$0x80];
	(pc) =	sbr.rel @p0 .LBB2_36-.Ltmp17, $3  }
0x1c5: {  	_ =	sdelay $0x1  }
0x1c6: {  	s22 =	sadd.s32 $0x80, s22;
	v35 =	vmul.f32 v33, v35  }
0x1c7: {  	s25 =	sand.u32 $0x3C00, s22;
	s24 =	sand.u32 $0x70, s23;
	s23 =	sadd.s32 $0x10, s23  }
0x1c8: {  	s22 =	sor.u32 s25, s24;
	v34 =	vadd.f32 v35, v34  }
0x1c9: {  	v62 =	vld [tilespmem:s22+$0x4080]  }
0x1ca: {  	[tilespmem:s21+$0x80] =	vst v34  }
0x1cb: {  	v34 =	vld [tilespmem:s22+$0x80];
	_ =	sdelay $0x2  }
0x1cc: {  	v33 =	vmul.f32 v33, v62;
	_ =	sdelay $0x1  }
0x1cd: {  	v33 =	vadd.f32 v33, v34;
	_ =	sdelay $0x1  }
0x1ce: {  	s30 =	simm.s32 $0x0;
	[tilespmem:s22+$0x80] =	vst v33  }
0x1cf: {  	s31 =	sand.u32 $0x70, s30;
	s21 =	sand.u32 $0x3C00, s30;
	v33 =	vld.idx.msk [tilespmem:v18+s17+$0x0], $0xffff  }
0x1d0: {  	s21 =	sor.u32 s21, s31  }
0x1d1: {  	v63 =	vld [tilespmem:s21+$0x4100];
	_ =	sdelay $0x1  }
0x1d2: {  	v34 =	vld [tilespmem:s21+$0x100]  }
0x1d3: {  	vm0 =	veq.s32 v33, $0x1  }
0x1d4: {  	v33 =	vsel vm0, $0x3F800000, v32  }
0x1d5: {  	s23 =	simm.s32 $0x10;
	s22 =	simm.s32 $0x80;
	v35 =	vmul.f32 v33, v63  }
0x1d6: {  	s24 =	sand.u32 $0x70, s23;
	s23 =	simm.s32 $0x20;
	s25 =	sand.u32 $0x3C00, s22  }
.LBB2_38:
0x1d7: {  	p0 =	sne.s32 s23, $0x7F0;
	s24 =	sor.u32 s25, s24;
	v34 =	vadd.f32 v35, v34  }
0x1d8: {  	v35 =	vld [tilespmem:s24+$0x4100]  }
0x1d9: {  	[tilespmem:s21+$0x100] =	vst v34;
	s21 =	smov.u32 s24  }
.Ltmp18:
0x1da: {  	v34 =	vld [tilespmem:s21+$0x100];
	(pc) =	sbr.rel @p0 .LBB2_38-.Ltmp18, $3  }
0x1db: {  	_ =	sdelay $0x1  }
0x1dc: {  	s22 =	sadd.s32 $0x80, s22;
	v35 =	vmul.f32 v33, v35  }
0x1dd: {  	s25 =	sand.u32 $0x3C00, s22;
	s24 =	sand.u32 $0x70, s23;
	s23 =	sadd.s32 $0x10, s23  }
0x1de: {  	s22 =	sor.u32 s25, s24;
	v34 =	vadd.f32 v35, v34  }
0x1df: {  	v62 =	vld [tilespmem:s22+$0x4100]  }
0x1e0: {  	[tilespmem:s21+$0x100] =	vst v34  }
0x1e1: {  	v34 =	vld [tilespmem:s22+$0x100];
	_ =	sdelay $0x2  }
0x1e2: {  	v33 =	vmul.f32 v33, v62;
	_ =	sdelay $0x1  }
0x1e3: {  	v33 =	vadd.f32 v33, v34;
	_ =	sdelay $0x1  }
0x1e4: {  	s30 =	simm.s32 $0x0;
	[tilespmem:s22+$0x100] =	vst v33  }
0x1e5: {  	s31 =	sand.u32 $0x70, s30;
	s21 =	sand.u32 $0x3C00, s30;
	v33 =	vld.idx.msk [tilespmem:v19+s17+$0x0], $0xffff  }
0x1e6: {  	s21 =	sor.u32 s21, s31  }
0x1e7: {  	v63 =	vld [tilespmem:s21+$0x4180];
	_ =	sdelay $0x1  }
0x1e8: {  	v34 =	vld [tilespmem:s21+$0x180]  }
0x1e9: {  	vm0 =	veq.s32 v33, $0x1  }
0x1ea: {  	v33 =	vsel vm0, $0x3F800000, v32  }
0x1eb: {  	s23 =	simm.s32 $0x10;
	s22 =	simm.s32 $0x80;
	v35 =	vmul.f32 v33, v63  }
0x1ec: {  	s24 =	sand.u32 $0x70, s23;
	s23 =	simm.s32 $0x20;
	s25 =	sand.u32 $0x3C00, s22  }
.LBB2_40:
0x1ed: {  	p0 =	sne.s32 s23, $0x7F0;
	s24 =	sor.u32 s25, s24;
	v34 =	vadd.f32 v35, v34  }
0x1ee: {  	v35 =	vld [tilespmem:s24+$0x4180]  }
0x1ef: {  	[tilespmem:s21+$0x180] =	vst v34;
	s21 =	smov.u32 s24  }
.Ltmp19:
0x1f0: {  	v34 =	vld [tilespmem:s21+$0x180];
	(pc) =	sbr.rel @p0 .LBB2_40-.Ltmp19, $3  }
0x1f1: {  	_ =	sdelay $0x1  }
0x1f2: {  	s22 =	sadd.s32 $0x80, s22;
	v35 =	vmul.f32 v33, v35  }
0x1f3: {  	s25 =	sand.u32 $0x3C00, s22;
	s24 =	sand.u32 $0x70, s23;
	s23 =	sadd.s32 $0x10, s23  }
0x1f4: {  	s22 =	sor.u32 s25, s24;
	v34 =	vadd.f32 v35, v34  }
0x1f5: {  	v62 =	vld [tilespmem:s22+$0x4180]  }
0x1f6: {  	[tilespmem:s21+$0x180] =	vst v34  }
0x1f7: {  	v34 =	vld [tilespmem:s22+$0x180];
	_ =	sdelay $0x2  }
0x1f8: {  	v33 =	vmul.f32 v33, v62;
	_ =	sdelay $0x1  }
0x1f9: {  	v33 =	vadd.f32 v33, v34;
	_ =	sdelay $0x1  }
0x1fa: {  	s30 =	simm.s32 $0x0;
	[tilespmem:s22+$0x180] =	vst v33  }
0x1fb: {  	s31 =	sand.u32 $0x70, s30;
	s21 =	sand.u32 $0x3C00, s30;
	v33 =	vld.idx.msk [tilespmem:v20+s17+$0x0], $0xffff  }
0x1fc: {  	s21 =	sor.u32 s21, s31  }
0x1fd: {  	v63 =	vld [tilespmem:s21+$0x4200];
	_ =	sdelay $0x1  }
0x1fe: {  	v34 =	vld [tilespmem:s21+$0x200]  }
0x1ff: {  	vm0 =	veq.s32 v33, $0x1  }
0x200: {  	v33 =	vsel vm0, $0x3F800000, v32  }
0x201: {  	s23 =	simm.s32 $0x10;
	s22 =	simm.s32 $0x80;
	v35 =	vmul.f32 v33, v63  }
0x202: {  	s24 =	sand.u32 $0x70, s23;
	s23 =	simm.s32 $0x20;
	s25 =	sand.u32 $0x3C00, s22  }
.LBB2_42:
0x203: {  	p0 =	sne.s32 s23, $0x7F0;
	s24 =	sor.u32 s25, s24;
	v34 =	vadd.f32 v35, v34  }
0x204: {  	v35 =	vld [tilespmem:s24+$0x4200]  }
0x205: {  	[tilespmem:s21+$0x200] =	vst v34;
	s21 =	smov.u32 s24  }
.Ltmp20:
0x206: {  	v34 =	vld [tilespmem:s21+$0x200];
	(pc) =	sbr.rel @p0 .LBB2_42-.Ltmp20, $3  }
0x207: {  	_ =	sdelay $0x1  }
0x208: {  	s22 =	sadd.s32 $0x80, s22;
	v35 =	vmul.f32 v33, v35  }
0x209: {  	s25 =	sand.u32 $0x3C00, s22;
	s24 =	sand.u32 $0x70, s23;
	s23 =	sadd.s32 $0x10, s23  }
0x20a: {  	s22 =	sor.u32 s25, s24;
	v34 =	vadd.f32 v35, v34  }
0x20b: {  	v62 =	vld [tilespmem:s22+$0x4200]  }
0x20c: {  	[tilespmem:s21+$0x200] =	vst v34  }
0x20d: {  	v34 =	vld [tilespmem:s22+$0x200];
	_ =	sdelay $0x2  }
0x20e: {  	v33 =	vmul.f32 v33, v62;
	_ =	sdelay $0x1  }
0x20f: {  	v33 =	vadd.f32 v33, v34;
	_ =	sdelay $0x1  }
0x210: {  	s30 =	simm.s32 $0x0;
	[tilespmem:s22+$0x200] =	vst v33  }
0x211: {  	s31 =	sand.u32 $0x70, s30;
	s21 =	sand.u32 $0x3C00, s30;
	v33 =	vld.idx.msk [tilespmem:v21+s17+$0x0], $0xffff  }
0x212: {  	s21 =	sor.u32 s21, s31  }
0x213: {  	v63 =	vld [tilespmem:s21+$0x4280];
	_ =	sdelay $0x1  }
0x214: {  	v34 =	vld [tilespmem:s21+$0x280]  }
0x215: {  	vm0 =	veq.s32 v33, $0x1  }
0x216: {  	v33 =	vsel vm0, $0x3F800000, v32  }
0x217: {  	s23 =	simm.s32 $0x10;
	s22 =	simm.s32 $0x80;
	v35 =	vmul.f32 v33, v63  }
0x218: {  	s24 =	sand.u32 $0x70, s23;
	s23 =	simm.s32 $0x20;
	s25 =	sand.u32 $0x3C00, s22  }
.LBB2_44:
0x219: {  	p0 =	sne.s32 s23, $0x7F0;
	s24 =	sor.u32 s25, s24;
	v34 =	vadd.f32 v35, v34  }
0x21a: {  	v35 =	vld [tilespmem:s24+$0x4280]  }
0x21b: {  	[tilespmem:s21+$0x280] =	vst v34;
	s21 =	smov.u32 s24  }
.Ltmp21:
0x21c: {  	v34 =	vld [tilespmem:s21+$0x280];
	(pc) =	sbr.rel @p0 .LBB2_44-.Ltmp21, $3  }
0x21d: {  	_ =	sdelay $0x1  }
0x21e: {  	s22 =	sadd.s32 $0x80, s22;
	v35 =	vmul.f32 v33, v35  }
0x21f: {  	s25 =	sand.u32 $0x3C00, s22;
	s24 =	sand.u32 $0x70, s23;
	s23 =	sadd.s32 $0x10, s23  }
0x220: {  	s22 =	sor.u32 s25, s24;
	v34 =	vadd.f32 v35, v34  }
0x221: {  	v62 =	vld [tilespmem:s22+$0x4280]  }
0x222: {  	[tilespmem:s21+$0x280] =	vst v34  }
0x223: {  	v34 =	vld [tilespmem:s22+$0x280];
	_ =	sdelay $0x2  }
0x224: {  	v33 =	vmul.f32 v33, v62;
	_ =	sdelay $0x1  }
0x225: {  	v33 =	vadd.f32 v33, v34;
	_ =	sdelay $0x1  }
0x226: {  	s30 =	simm.s32 $0x0;
	[tilespmem:s22+$0x280] =	vst v33  }
0x227: {  	s31 =	sand.u32 $0x70, s30;
	s21 =	sand.u32 $0x3C00, s30;
	v33 =	vld.idx.msk [tilespmem:v22+s17+$0x0], $0xffff  }
0x228: {  	s21 =	sor.u32 s21, s31  }
0x229: {  	v63 =	vld [tilespmem:s21+$0x4300];
	_ =	sdelay $0x1  }
0x22a: {  	v34 =	vld [tilespmem:s21+$0x300]  }
0x22b: {  	vm0 =	veq.s32 v33, $0x1  }
0x22c: {  	v33 =	vsel vm0, $0x3F800000, v32  }
0x22d: {  	s23 =	simm.s32 $0x10;
	s22 =	simm.s32 $0x80;
	v35 =	vmul.f32 v33, v63  }
0x22e: {  	s24 =	sand.u32 $0x70, s23;
	s23 =	simm.s32 $0x20;
	s25 =	sand.u32 $0x3C00, s22  }
.LBB2_46:
0x22f: {  	p0 =	sne.s32 s23, $0x7F0;
	s24 =	sor.u32 s25, s24;
	v34 =	vadd.f32 v35, v34  }
0x230: {  	v35 =	vld [tilespmem:s24+$0x4300]  }
0x231: {  	[tilespmem:s21+$0x300] =	vst v34;
	s21 =	smov.u32 s24  }
.Ltmp22:
0x232: {  	v34 =	vld [tilespmem:s21+$0x300];
	(pc) =	sbr.rel @p0 .LBB2_46-.Ltmp22, $3  }
0x233: {  	_ =	sdelay $0x1  }
0x234: {  	s22 =	sadd.s32 $0x80, s22;
	v35 =	vmul.f32 v33, v35  }
0x235: {  	s25 =	sand.u32 $0x3C00, s22;
	s24 =	sand.u32 $0x70, s23;
	s23 =	sadd.s32 $0x10, s23  }
0x236: {  	s22 =	sor.u32 s25, s24;
	v34 =	vadd.f32 v35, v34  }
0x237: {  	v63 =	vld [tilespmem:s22+$0x4300]  }
0x238: {  	[tilespmem:s21+$0x300] =	vst v34  }
0x239: {  	v34 =	vld [tilespmem:s22+$0x300];
	_ =	sdelay $0x2  }
0x23a: {  	v33 =	vmul.f32 v33, v63;
	_ =	sdelay $0x1  }
0x23b: {  	v33 =	vadd.f32 v33, v34;
	_ =	sdelay $0x1  }
0x23c: {  	[tilespmem:s22+$0x300] =	vst v33;
	s22 =	simm.s32 $0x0  }
0x23d: {  	s31 =	sand.u32 $0x7, s22  }
0x23e: {  	s21 =	sshll.u32 s31, $0x4  }
0x23f: {  	v33 =	vld.idx.msk [tilespmem:v24+s17+$0x0], $0xffff;
	s21 =	sadd.s32 $0x0, s21  }
0x240: {  	s21 =	sor.u32 $0x380, s21  }
0x241: {  	v35 =	vld [tilespmem:s21+$0x4000];
	_ =	sdelay $0x1  }
0x242: {  	v34 =	vld [tilespmem:s21+$0x0]  }
0x243: {  	s23 =	simm.s32 $0x1;
	vm0 =	veq.s32 v33, $0x1  }
0x244: {  	s24 =	simm.s32 $0x20;
	s25 =	sand.u32 $0x7, s23;
	v33 =	vsel vm0, $0x3F800000, v32  }
.LBB2_48:
0x245: {  	p0 =	sne.s32 s24, $0x7F0;
	s25 =	sshll.u32 s25, $0x4;
	v35 =	vmul.f32 v33, v35;
	s22 =	sadd.s32 $0x80, s22  }
0x246: {  	s25 =	sadd.s32 s25, s22  }
0x247: {  	s25 =	sor.u32 $0x380, s25;
	v34 =	vadd.f32 v35, v34  }
.Ltmp23:
0x248: {  	v35 =	vld [tilespmem:s25+$0x4000];
	(pc) =	sbr.rel @p0 .LBB2_48-.Ltmp23, $4  }
0x249: {  	[tilespmem:s21+$0x0] =	vst v34;
	s21 =	smov.u32 s25  }
0x24a: {  	v34 =	vld [tilespmem:s21+$0x0]  }
0x24b: {  	s23 =	sadd.s32 $0x1, s23  }
0x24c: {  	s24 =	sadd.s32 $0x10, s24;
	s25 =	sand.u32 $0x7, s23  }
0x24d: {  	s23 =	sshll.u32 s25, $0x4;
	v35 =	vmul.f32 v33, v35;
	s22 =	sadd.s32 $0x80, s22  }
0x24e: {  	s22 =	sadd.s32 s23, s22  }
0x24f: {  	s22 =	sor.u32 $0x380, s22;
	v34 =	vadd.f32 v35, v34  }
0x250: {  	v60 =	vld [tilespmem:s22+$0x4000]  }
0x251: {  	[tilespmem:s21+$0x0] =	vst v34  }
0x252: {  	v34 =	vld [tilespmem:s22+$0x0];
	_ =	sdelay $0x2  }
0x253: {  	v61 =	vmul.f32 v33, v60;
	_ =	sdelay $0x1  }
0x254: {  	v33 =	vadd.f32 v61, v34;
	_ =	sdelay $0x1  }
0x255: {  	s29 =	simm.s32 $0x0;
	[tilespmem:s22+$0x0] =	vst v33  }
0x256: {  	[hbm4b:s12+s29] =	stream.linear.scatter [tilespmem:s29], [sflag:$0x1], $0x4000, $0x38;
	[tilespmem:$0x8100] =	vst v63  }
0x257: {  	_ =	swait.ge [sflag:s18], $0x4000  }
0x258: {  	[sflag:s18] =	ssyncset.done $0x0  }
0x259: {  	[sflag:s18] =	ssyncadd.s32 $0xFFFFC000  }
0x25a: {  	[tilespmem:s29], [sflag:$0x1] =	stream.linear.gather [hbm4b:s13+s29], $0x4000, $0x38;
	[tilespmem:$0x8100] =	vst v63  }
0x25b: {  	_ =	swait.ge [sflag:s18], $0x4000  }
0x25c: {  	[sflag:s18] =	ssyncset.done $0x0  }
0x25d: {  	[sflag:s18] =	ssyncadd.s32 $0xFFFFC000  }
0x25e: {  	[tilespmem:s19], [sflag:$0x1] =	stream.linear.gather [hbm4b:s14+s29], $0x4000, $0x38;
	[tilespmem:$0x8100] =	vst v63  }
0x25f: {  	_ =	swait.ge [sflag:s18], $0x4000  }
0x260: {  	[sflag:s18] =	ssyncset.done $0x0  }
0x261: {  	[sflag:s18] =	ssyncadd.s32 $0xFFFFC000  }
0x262: {  	s30 =	sand.u32 $0x70, s29;
	s21 =	sand.u32 $0x3C00, s29;
	v62 =	vld.idx.msk [tilespmem:v23+s17+$0x0], $0xffff  }
0x263: {  	s21 =	sor.u32 s30, s21  }
0x264: {  	v63 =	vld [tilespmem:s21+$0x4000];
	_ =	sdelay $0x1  }
0x265: {  	v34 =	vld [tilespmem:s21+$0x0]  }
0x266: {  	vm0 =	veq.s32 v62, $0x1  }
0x267: {  	v33 =	vsel vm0, $0x3F800000, v32  }
0x268: {  	s31 =	simm.s32 $0x10;
	s22 =	simm.s32 $0x80;
	v35 =	vmul.f32 v33, v63  }
0x269: {  	s24 =	sand.u32 $0x70, s31;
	s23 =	simm.s32 $0x20;
	s25 =	sand.u32 $0x3C00, s22  }
.LBB2_50:
0x26a: {  	p0 =	sne.s32 s23, $0x7F0;
	s24 =	sor.u32 s24, s25;
	v34 =	vadd.f32 v35, v34  }
0x26b: {  	v35 =	vld [tilespmem:s24+$0x4000]  }
0x26c: {  	[tilespmem:s21+$0x0] =	vst v34;
	s21 =	smov.u32 s24  }
.Ltmp24:
0x26d: {  	v34 =	vld [tilespmem:s21+$0x0];
	(pc) =	sbr.rel @p0 .LBB2_50-.Ltmp24, $3  }
0x26e: {  	_ =	sdelay $0x1  }
0x26f: {  	s22 =	sadd.s32 $0x80, s22;
	v35 =	vmul.f32 v33, v35  }
0x270: {  	s25 =	sand.u32 $0x3C00, s22;
	s24 =	sand.u32 $0x70, s23;
	s23 =	sadd.s32 $0x10, s23  }
0x271: {  	s22 =	sor.u32 s24, s25;
	v34 =	vadd.f32 v35, v34  }
0x272: {  	v62 =	vld [tilespmem:s22+$0x4000]  }
0x273: {  	[tilespmem:s21+$0x0] =	vst v34  }
0x274: {  	v34 =	vld [tilespmem:s22+$0x0];
	_ =	sdelay $0x2  }
0x275: {  	v33 =	vmul.f32 v33, v62;
	_ =	sdelay $0x1  }
0x276: {  	v33 =	vadd.f32 v33, v34;
	_ =	sdelay $0x1  }
0x277: {  	s30 =	simm.s32 $0x0;
	[tilespmem:s22+$0x0] =	vst v33  }
0x278: {  	s31 =	sand.u32 $0x70, s30;
	s21 =	sand.u32 $0x3C00, s30;
	v33 =	vld.idx.msk [tilespmem:v25+s17+$0x0], $0xffff  }
0x279: {  	s21 =	sor.u32 s21, s31  }
0x27a: {  	v63 =	vld [tilespmem:s21+$0x4080];
	_ =	sdelay $0x1  }
0x27b: {  	v34 =	vld [tilespmem:s21+$0x80]  }
0x27c: {  	vm0 =	veq.s32 v33, $0x1  }
0x27d: {  	v33 =	vsel vm0, $0x3F800000, v32  }
0x27e: {  	s23 =	simm.s32 $0x10;
	s22 =	simm.s32 $0x80;
	v35 =	vmul.f32 v33, v63  }
0x27f: {  	s24 =	sand.u32 $0x70, s23;
	s23 =	simm.s32 $0x20;
	s25 =	sand.u32 $0x3C00, s22  }
.LBB2_52:
0x280: {  	p0 =	sne.s32 s23, $0x7F0;
	s24 =	sor.u32 s25, s24;
	v34 =	vadd.f32 v35, v34  }
0x281: {  	v35 =	vld [tilespmem:s24+$0x4080]  }
0x282: {  	[tilespmem:s21+$0x80] =	vst v34;
	s21 =	smov.u32 s24  }
.Ltmp25:
0x283: {  	v34 =	vld [tilespmem:s21+$0x80];
	(pc) =	sbr.rel @p0 .LBB2_52-.Ltmp25, $3  }
0x284: {  	_ =	sdelay $0x1  }
0x285: {  	s22 =	sadd.s32 $0x80, s22;
	v35 =	vmul.f32 v33, v35  }
0x286: {  	s25 =	sand.u32 $0x3C00, s22;
	s24 =	sand.u32 $0x70, s23;
	s23 =	sadd.s32 $0x10, s23  }
0x287: {  	s22 =	sor.u32 s25, s24;
	v34 =	vadd.f32 v35, v34  }
0x288: {  	v62 =	vld [tilespmem:s22+$0x4080]  }
0x289: {  	[tilespmem:s21+$0x80] =	vst v34  }
0x28a: {  	v34 =	vld [tilespmem:s22+$0x80];
	_ =	sdelay $0x2  }
0x28b: {  	v33 =	vmul.f32 v33, v62;
	_ =	sdelay $0x1  }
0x28c: {  	v33 =	vadd.f32 v33, v34;
	_ =	sdelay $0x1  }
0x28d: {  	s30 =	simm.s32 $0x0;
	[tilespmem:s22+$0x80] =	vst v33  }
0x28e: {  	s31 =	sand.u32 $0x70, s30;
	s21 =	sand.u32 $0x3C00, s30;
	v33 =	vld.idx.msk [tilespmem:v26+s17+$0x0], $0xffff  }
0x28f: {  	s21 =	sor.u32 s21, s31  }
0x290: {  	v63 =	vld [tilespmem:s21+$0x4100];
	_ =	sdelay $0x1  }
0x291: {  	v34 =	vld [tilespmem:s21+$0x100]  }
0x292: {  	vm0 =	veq.s32 v33, $0x1  }
0x293: {  	v33 =	vsel vm0, $0x3F800000, v32  }
0x294: {  	s23 =	simm.s32 $0x10;
	s22 =	simm.s32 $0x80;
	v35 =	vmul.f32 v33, v63  }
0x295: {  	s24 =	sand.u32 $0x70, s23;
	s23 =	simm.s32 $0x20;
	s25 =	sand.u32 $0x3C00, s22  }
.LBB2_54:
0x296: {  	p0 =	sne.s32 s23, $0x7F0;
	s24 =	sor.u32 s25, s24;
	v34 =	vadd.f32 v35, v34  }
0x297: {  	v35 =	vld [tilespmem:s24+$0x4100]  }
0x298: {  	[tilespmem:s21+$0x100] =	vst v34;
	s21 =	smov.u32 s24  }
.Ltmp26:
0x299: {  	v34 =	vld [tilespmem:s21+$0x100];
	(pc) =	sbr.rel @p0 .LBB2_54-.Ltmp26, $3  }
0x29a: {  	_ =	sdelay $0x1  }
0x29b: {  	s22 =	sadd.s32 $0x80, s22;
	v35 =	vmul.f32 v33, v35  }
0x29c: {  	s25 =	sand.u32 $0x3C00, s22;
	s24 =	sand.u32 $0x70, s23;
	s23 =	sadd.s32 $0x10, s23  }
0x29d: {  	s22 =	sor.u32 s25, s24;
	v34 =	vadd.f32 v35, v34  }
0x29e: {  	v62 =	vld [tilespmem:s22+$0x4100]  }
0x29f: {  	[tilespmem:s21+$0x100] =	vst v34  }
0x2a0: {  	v34 =	vld [tilespmem:s22+$0x100];
	_ =	sdelay $0x2  }
0x2a1: {  	v33 =	vmul.f32 v33, v62;
	_ =	sdelay $0x1  }
0x2a2: {  	v33 =	vadd.f32 v33, v34;
	_ =	sdelay $0x1  }
0x2a3: {  	s30 =	simm.s32 $0x0;
	[tilespmem:s22+$0x100] =	vst v33  }
0x2a4: {  	s31 =	sand.u32 $0x70, s30;
	s21 =	sand.u32 $0x3C00, s30;
	v33 =	vld.idx.msk [tilespmem:v27+s17+$0x0], $0xffff  }
0x2a5: {  	s21 =	sor.u32 s21, s31  }
0x2a6: {  	v63 =	vld [tilespmem:s21+$0x4180];
	_ =	sdelay $0x1  }
0x2a7: {  	v34 =	vld [tilespmem:s21+$0x180]  }
0x2a8: {  	vm0 =	veq.s32 v33, $0x1  }
0x2a9: {  	v33 =	vsel vm0, $0x3F800000, v32  }
0x2aa: {  	s23 =	simm.s32 $0x10;
	s22 =	simm.s32 $0x80;
	v35 =	vmul.f32 v33, v63  }
0x2ab: {  	s24 =	sand.u32 $0x70, s23;
	s23 =	simm.s32 $0x20;
	s25 =	sand.u32 $0x3C00, s22  }
.LBB2_56:
0x2ac: {  	p0 =	sne.s32 s23, $0x7F0;
	s24 =	sor.u32 s25, s24;
	v34 =	vadd.f32 v35, v34  }
0x2ad: {  	v35 =	vld [tilespmem:s24+$0x4180]  }
0x2ae: {  	[tilespmem:s21+$0x180] =	vst v34;
	s21 =	smov.u32 s24  }
.Ltmp27:
0x2af: {  	v34 =	vld [tilespmem:s21+$0x180];
	(pc) =	sbr.rel @p0 .LBB2_56-.Ltmp27, $3  }
0x2b0: {  	_ =	sdelay $0x1  }
0x2b1: {  	s22 =	sadd.s32 $0x80, s22;
	v35 =	vmul.f32 v33, v35  }
0x2b2: {  	s25 =	sand.u32 $0x3C00, s22;
	s24 =	sand.u32 $0x70, s23;
	s23 =	sadd.s32 $0x10, s23  }
0x2b3: {  	s22 =	sor.u32 s25, s24;
	v34 =	vadd.f32 v35, v34  }
0x2b4: {  	v62 =	vld [tilespmem:s22+$0x4180]  }
0x2b5: {  	[tilespmem:s21+$0x180] =	vst v34  }
0x2b6: {  	v34 =	vld [tilespmem:s22+$0x180];
	_ =	sdelay $0x2  }
0x2b7: {  	v33 =	vmul.f32 v33, v62;
	_ =	sdelay $0x1  }
0x2b8: {  	v33 =	vadd.f32 v33, v34;
	_ =	sdelay $0x1  }
0x2b9: {  	s30 =	simm.s32 $0x0;
	[tilespmem:s22+$0x180] =	vst v33  }
0x2ba: {  	s31 =	sand.u32 $0x70, s30;
	s21 =	sand.u32 $0x3C00, s30;
	v33 =	vld.idx.msk [tilespmem:v28+s17+$0x0], $0xffff  }
0x2bb: {  	s21 =	sor.u32 s21, s31  }
0x2bc: {  	v63 =	vld [tilespmem:s21+$0x4200];
	_ =	sdelay $0x1  }
0x2bd: {  	v34 =	vld [tilespmem:s21+$0x200]  }
0x2be: {  	vm0 =	veq.s32 v33, $0x1  }
0x2bf: {  	v33 =	vsel vm0, $0x3F800000, v32  }
0x2c0: {  	s23 =	simm.s32 $0x10;
	s22 =	simm.s32 $0x80;
	v35 =	vmul.f32 v33, v63  }
0x2c1: {  	s24 =	sand.u32 $0x70, s23;
	s23 =	simm.s32 $0x20;
	s25 =	sand.u32 $0x3C00, s22  }
.LBB2_58:
0x2c2: {  	p0 =	sne.s32 s23, $0x7F0;
	s24 =	sor.u32 s25, s24;
	v34 =	vadd.f32 v35, v34  }
0x2c3: {  	v35 =	vld [tilespmem:s24+$0x4200]  }
0x2c4: {  	[tilespmem:s21+$0x200] =	vst v34;
	s21 =	smov.u32 s24  }
.Ltmp28:
0x2c5: {  	v34 =	vld [tilespmem:s21+$0x200];
	(pc) =	sbr.rel @p0 .LBB2_58-.Ltmp28, $3  }
0x2c6: {  	_ =	sdelay $0x1  }
0x2c7: {  	s22 =	sadd.s32 $0x80, s22;
	v35 =	vmul.f32 v33, v35  }
0x2c8: {  	s25 =	sand.u32 $0x3C00, s22;
	s24 =	sand.u32 $0x70, s23;
	s23 =	sadd.s32 $0x10, s23  }
0x2c9: {  	s22 =	sor.u32 s25, s24;
	v34 =	vadd.f32 v35, v34  }
0x2ca: {  	v62 =	vld [tilespmem:s22+$0x4200]  }
0x2cb: {  	[tilespmem:s21+$0x200] =	vst v34  }
0x2cc: {  	v34 =	vld [tilespmem:s22+$0x200];
	_ =	sdelay $0x2  }
0x2cd: {  	v33 =	vmul.f32 v33, v62;
	_ =	sdelay $0x1  }
0x2ce: {  	v33 =	vadd.f32 v33, v34;
	_ =	sdelay $0x1  }
0x2cf: {  	s30 =	simm.s32 $0x0;
	[tilespmem:s22+$0x200] =	vst v33  }
0x2d0: {  	s31 =	sand.u32 $0x70, s30;
	s21 =	sand.u32 $0x3C00, s30;
	v33 =	vld.idx.msk [tilespmem:v29+s17+$0x0], $0xffff  }
0x2d1: {  	s21 =	sor.u32 s21, s31  }
0x2d2: {  	v63 =	vld [tilespmem:s21+$0x4280];
	_ =	sdelay $0x1  }
0x2d3: {  	v34 =	vld [tilespmem:s21+$0x280]  }
0x2d4: {  	vm0 =	veq.s32 v33, $0x1  }
0x2d5: {  	v33 =	vsel vm0, $0x3F800000, v32  }
0x2d6: {  	s23 =	simm.s32 $0x10;
	s22 =	simm.s32 $0x80;
	v35 =	vmul.f32 v33, v63  }
0x2d7: {  	s24 =	sand.u32 $0x70, s23;
	s23 =	simm.s32 $0x20;
	s25 =	sand.u32 $0x3C00, s22  }
.LBB2_60:
0x2d8: {  	p0 =	sne.s32 s23, $0x7F0;
	s24 =	sor.u32 s25, s24;
	v34 =	vadd.f32 v35, v34  }
0x2d9: {  	v35 =	vld [tilespmem:s24+$0x4280]  }
0x2da: {  	[tilespmem:s21+$0x280] =	vst v34;
	s21 =	smov.u32 s24  }
.Ltmp29:
0x2db: {  	v34 =	vld [tilespmem:s21+$0x280];
	(pc) =	sbr.rel @p0 .LBB2_60-.Ltmp29, $3  }
0x2dc: {  	_ =	sdelay $0x1  }
0x2dd: {  	s22 =	sadd.s32 $0x80, s22;
	v35 =	vmul.f32 v33, v35  }
0x2de: {  	s25 =	sand.u32 $0x3C00, s22;
	s24 =	sand.u32 $0x70, s23;
	s23 =	sadd.s32 $0x10, s23  }
0x2df: {  	s22 =	sor.u32 s25, s24;
	v34 =	vadd.f32 v35, v34  }
0x2e0: {  	v62 =	vld [tilespmem:s22+$0x4280]  }
0x2e1: {  	[tilespmem:s21+$0x280] =	vst v34  }
0x2e2: {  	v34 =	vld [tilespmem:s22+$0x280];
	_ =	sdelay $0x2  }
0x2e3: {  	v33 =	vmul.f32 v33, v62;
	_ =	sdelay $0x1  }
0x2e4: {  	v33 =	vadd.f32 v33, v34;
	_ =	sdelay $0x1  }
0x2e5: {  	s30 =	simm.s32 $0x0;
	[tilespmem:s22+$0x280] =	vst v33  }
0x2e6: {  	s31 =	sand.u32 $0x70, s30;
	s21 =	sand.u32 $0x3C00, s30;
	v33 =	vld.idx.msk [tilespmem:v30+s17+$0x0], $0xffff  }
0x2e7: {  	s21 =	sor.u32 s21, s31  }
0x2e8: {  	v63 =	vld [tilespmem:s21+$0x4300];
	_ =	sdelay $0x1  }
0x2e9: {  	v34 =	vld [tilespmem:s21+$0x300]  }
0x2ea: {  	vm0 =	veq.s32 v33, $0x1  }
0x2eb: {  	v33 =	vsel vm0, $0x3F800000, v32  }
0x2ec: {  	s23 =	simm.s32 $0x10;
	s22 =	simm.s32 $0x80;
	v35 =	vmul.f32 v33, v63  }
0x2ed: {  	s24 =	sand.u32 $0x70, s23;
	s23 =	simm.s32 $0x20;
	s25 =	sand.u32 $0x3C00, s22  }
.LBB2_62:
0x2ee: {  	p0 =	sne.s32 s23, $0x7F0;
	s24 =	sor.u32 s25, s24;
	v34 =	vadd.f32 v35, v34  }
0x2ef: {  	v35 =	vld [tilespmem:s24+$0x4300]  }
0x2f0: {  	[tilespmem:s21+$0x300] =	vst v34;
	s21 =	smov.u32 s24  }
.Ltmp30:
0x2f1: {  	v34 =	vld [tilespmem:s21+$0x300];
	(pc) =	sbr.rel @p0 .LBB2_62-.Ltmp30, $3  }
0x2f2: {  	_ =	sdelay $0x1  }
0x2f3: {  	s22 =	sadd.s32 $0x80, s22;
	v35 =	vmul.f32 v33, v35  }
0x2f4: {  	s25 =	sand.u32 $0x3C00, s22;
	s24 =	sand.u32 $0x70, s23;
	s23 =	sadd.s32 $0x10, s23  }
0x2f5: {  	s22 =	sor.u32 s25, s24;
	v34 =	vadd.f32 v35, v34  }
0x2f6: {  	v63 =	vld [tilespmem:s22+$0x4300]  }
0x2f7: {  	[tilespmem:s21+$0x300] =	vst v34  }
0x2f8: {  	v34 =	vld [tilespmem:s22+$0x300];
	_ =	sdelay $0x2  }
0x2f9: {  	v33 =	vmul.f32 v33, v63;
	_ =	sdelay $0x1  }
0x2fa: {  	v33 =	vadd.f32 v33, v34;
	_ =	sdelay $0x1  }
0x2fb: {  	[tilespmem:s22+$0x300] =	vst v33;
	s22 =	simm.s32 $0x0  }
0x2fc: {  	s31 =	sand.u32 $0x7, s22  }
0x2fd: {  	s21 =	sshll.u32 s31, $0x4  }
0x2fe: {  	v33 =	vld.idx.msk [tilespmem:v31+s17+$0x0], $0xffff;
	s21 =	sadd.s32 $0x0, s21  }
0x2ff: {  	s21 =	sor.u32 $0x380, s21  }
0x300: {  	v35 =	vld [tilespmem:s21+$0x4000];
	_ =	sdelay $0x1  }
0x301: {  	v34 =	vld [tilespmem:s21+$0x0]  }
0x302: {  	s23 =	simm.s32 $0x1;
	vm0 =	veq.s32 v33, $0x1  }
0x303: {  	s24 =	simm.s32 $0x20;
	s25 =	sand.u32 $0x7, s23;
	v33 =	vsel vm0, $0x3F800000, v32  }
.LBB2_64:
0x304: {  	p0 =	sne.s32 s24, $0x7F0;
	s25 =	sshll.u32 s25, $0x4;
	v35 =	vmul.f32 v33, v35;
	s22 =	sadd.s32 $0x80, s22  }
0x305: {  	s25 =	sadd.s32 s25, s22  }
0x306: {  	s25 =	sor.u32 $0x380, s25;
	v34 =	vadd.f32 v35, v34  }
.Ltmp31:
0x307: {  	v35 =	vld [tilespmem:s25+$0x4000];
	(pc) =	sbr.rel @p0 .LBB2_64-.Ltmp31, $4  }
0x308: {  	[tilespmem:s21+$0x0] =	vst v34;
	s21 =	smov.u32 s25  }
0x309: {  	v34 =	vld [tilespmem:s21+$0x0]  }
0x30a: {  	s23 =	sadd.s32 $0x1, s23  }
0x30b: {  	s24 =	sadd.s32 $0x10, s24;
	s25 =	sand.u32 $0x7, s23  }
0x30c: {  	s23 =	sshll.u32 s25, $0x4;
	v35 =	vmul.f32 v33, v35;
	s22 =	sadd.s32 $0x80, s22  }
0x30d: {  	s22 =	sadd.s32 s23, s22  }
0x30e: {  	s22 =	sor.u32 $0x380, s22;
	v34 =	vadd.f32 v35, v34  }
0x30f: {  	v62 =	vld [tilespmem:s22+$0x4000]  }
0x310: {  	[tilespmem:s21+$0x0] =	vst v34  }
0x311: {  	v34 =	vld [tilespmem:s22+$0x0];
	_ =	sdelay $0x2  }
0x312: {  	v63 =	vmul.f32 v33, v62;
	_ =	sdelay $0x1  }
0x313: {  	s20 =	sadd.s32 $0x1, s20;
	v33 =	vadd.f32 v63, v34  }
0x314: {  	p0 =	sne.s32 s20, s16  }
.Ltmp32:
0x315: {  	[tilespmem:s22+$0x0] =	vst v33;
	(pc) =	sbr.rel @p0 .LBB2_1-.Ltmp32, $4  }
0x316: {  	[hbm4b:s15+s3] =	stream.linear.scatter [tilespmem:s3], [sflag:$0x1], $0x4000, $0x38;
	[tilespmem:$0x8100] =	vst v63  }
0x317: {  	_ =	swait.ge [sflag:s18], $0x4000  }
0x318: {  	[sflag:s18] =	ssyncset.done $0x0  }
0x319: {  	[sflag:s18] =	ssyncadd.s32 $0xFFFFC000  }
0x31a: {  	_ =	sfence.sel $0x180000  }
0x31b: {  	[bflag:$0x0] =	sbarrier.arrive $0xFFFF  }
0x31c: {  	p0 =	sne.s32 s1, $0x0;
	_ =	strace $0x90000047  }
0x31d: {  	s0 =	sadd.s32 @!p0 $0x100000, s0;
	[bflag:$0x2] =	sbarrier.arrive $0xFFFF  }
0x31e: {  	[sflag:s0] =	ssyncadd.tile.s32 @!p0 $0x1;
	_ =	shalt  }
.Lfunc_end2:
_tile_overlayer_lowered:
.L_overlay_start_2:
0x31f: {  	(tag) =	ssettag $0x2  }
0x320: {  	s0 =	rddreg [dreg:$0x0];
	s2 =	stileid.u32  }
0x321: {  	s1 =	rddreg [dreg:$0x1];
	p0 =	sne.s32 s2, $0x0  }
0x322: {  	s3 =	rddreg [dreg:$0x2];
	[bflag:$0x3] =	sbarrier.arrive $0xFFFF;
	s2 =	simm.s32 @!p0 $0x1C02  }
0x323: {  	[timem:s3], [sflag:s2] =	dma.local @!p0 [hbm:s0], s1  }
0x324: {  	s0 =	simm.s32 @!p0 $0x2  }
0x325: {  	_ =	swait.ge @!p0 [sflag:s0], s1  }
0x326: {  	s1 =	ssub.s32 @!p0 $0x0, s1;
	[sflag:s0] =	ssyncset.done @!p0 $0x0  }
0x327: {  	[sflag:s0] =	ssyncadd.s32 @!p0 s1  }
0x328: {  	[bflag:$0x3] =	sbarrier.arrive $0xFFFF  }
0x329: {  	_ =	shalt  }

</sc_bundles>
